<compile_context>
chip_gen: v7x
topology: tpu7x:2x2x1
jax: 0.10.2.dev20260603
libtpu: 0.0.44.dev20260713+nightly
codegen_flags: <defaults>
</compile_context>

<pallas_src>
import jax
import jax.numpy as jnp
from jax import lax
from jax.experimental import pallas as pl
from jax.experimental.pallas import tpu as pltpu
from jax.experimental.pallas import tpu_sc as plsc

B = 4096
ND = 13
NF = 26
VOCAB = 1000
EMB = 32
SLOTS = NF + 2
DP = SLOTS * EMB
DE = NF * EMB
D = ND + DE
H1 = 1024
H2 = 1024
OUT_DIM = 256
NCROSS = 4
BM = 1024
NDP = 39


def _gather_x(table, idx2, nw, nc, nchunk, rpw):
    mesh = plsc.VectorSubcoreMesh(core_axis_name="c", subcore_axis_name="s")

    def body(table_hbm, idx_hbm, x_hbm, idx_v, rows_v, sem):
        w = lax.axis_index("s") * nc + lax.axis_index("c")
        pltpu.sync_copy(idx_hbm.at[w], idx_v)

        def step(i, carry):
            cps = [
                pltpu.async_copy(
                    table_hbm.at[idx_v.at[i * 4 + u]],
                    rows_v.at[pl.ds((i * 4 + u) * 128, 128), :], sem,
                )
                for u in range(4)
            ]
            for cp in cps:
                cp.wait()
            return carry

        lax.fori_loop(0, nchunk // 4, step, 0)
        pltpu.sync_copy(rows_v, x_hbm.at[pl.ds(w * rpw, rpw), :])

    k = pl.kernel(
        body,
        out_type=jax.ShapeDtypeStruct((B * SLOTS, EMB), jnp.float32),
        mesh=mesh,
        compiler_params=pltpu.CompilerParams(use_tc_tiling_on_sc=False),
        scratch_types=[
            pltpu.VMEM((nchunk, 128), jnp.int32),
            pltpu.VMEM((rpw, EMB), jnp.float32),
            pltpu.SemaphoreType.DMA,
        ],
    )
    return k(table, idx2)


def _dcn_tc(x4d, xraw, cwe, cwd, betag, w1e, w1d, b1, W2, b2, W3, b3, woh, bo):
    nck = DP // 128

    def body(x_ref, xd_ref, cwe_ref, cwd_ref, bg_ref, w1e_ref, w1d_ref,
             b1_ref, w2_ref, b2_ref, w3_ref, b3_ref, woh_ref, bo_ref, out_ref):
        xe = jnp.concatenate(
            [x_ref[:, c].reshape(BM, 128) for c in range(nck)],
            axis=1).astype(jnp.bfloat16)
        xd = xd_ref[...].astype(jnp.bfloat16)
        P = (jnp.dot(xe, cwe_ref[...], preferred_element_type=jnp.float32)
             + jnp.dot(xd, cwd_ref[...], preferred_element_type=jnp.float32))
        c_l = jnp.ones((BM, 1), jnp.float32)
        for l in range(NCROSS):
            c_l = c_l + c_l * P[:, l:l + 1] + bg_ref[0, l]
        gamma = bg_ref[0, NCROSS]
        h = (jnp.dot(xe, w1e_ref[...], preferred_element_type=jnp.float32)
             + jnp.dot(xd, w1d_ref[...], preferred_element_type=jnp.float32))
        h = jnp.maximum(h + b1_ref[...], 0.0).astype(jnp.bfloat16)
        h = jnp.maximum(
            jnp.dot(h, w2_ref[...], preferred_element_type=jnp.float32)
            + b2_ref[...], 0.0).astype(jnp.bfloat16)
        h = jnp.maximum(
            jnp.dot(h, w3_ref[...], preferred_element_type=jnp.float32)
            + b3_ref[...], 0.0).astype(jnp.bfloat16)
        logit = (c_l * P[:, NCROSS:NCROSS + 1] + gamma
                 + jnp.dot(h, woh_ref[...], preferred_element_type=jnp.float32)
                 + bo_ref[0, 0])
        out_ref[...] = (1.0 / (1.0 + jnp.exp(-logit)))[:, 0]

    def wspec(shape):
        return pl.BlockSpec(shape, lambda i: (0,) * len(shape))

    return pl.pallas_call(
        body,
        grid=(B // BM,),
        in_specs=[
            pl.BlockSpec((BM // 8, nck, 8, 128), lambda i: (i, 0, 0, 0)),
            pl.BlockSpec((BM, NDP), lambda i: (i, 0)),
            wspec((DP, NCROSS + 1)),
            wspec((NDP, NCROSS + 1)),
            wspec((1, 8)),
            wspec((DP, H1)),
            wspec((NDP, H1)),
            wspec((1, H1)),
            wspec((H1, H2)),
            wspec((1, H2)),
            wspec((H2, OUT_DIM)),
            wspec((1, OUT_DIM)),
            wspec((OUT_DIM, 1)),
            wspec((1, 1)),
        ],
        out_specs=pl.BlockSpec((BM,), lambda i: (i,)),
        out_shape=jax.ShapeDtypeStruct((B,), jnp.float32),
        compiler_params=pltpu.CompilerParams(
            dimension_semantics=("arbitrary",)),
    )(x4d, xraw, cwe, cwd, betag, w1e, w1d, b1, W2, b2, W3, b3, woh, bo)


def kernel(inputs, embed_tables, cross_w, cross_b, W1, b1, W2, b2, W3, b3, Wo, bo):
    bf16 = jnp.bfloat16
    f32 = jnp.float32
    info = plsc.get_sparse_core_info()
    nc, ns = info.num_cores, info.num_subcores
    nw = nc * ns
    rpw = (B * SLOTS) // nw
    nchunk = rpw // 128
    bpw = B // nw

    sp_idx = inputs[:, ND:].astype(jnp.int32)
    table = embed_tables.reshape(NF * VOCAB, EMB)

    emb_idx = sp_idx + (jnp.arange(NF, dtype=jnp.int32) * VOCAB)[None, :]
    idx_all = jnp.concatenate(
        [emb_idx, emb_idx[:, :SLOTS - NF]], axis=1)
    idx2 = (idx_all.reshape(nw, bpw // 8, 8, SLOTS // 4, 4)
            .transpose(0, 1, 3, 2, 4).reshape(nw, nchunk, 128))

    x_flat = _gather_x(table, idx2, nw, nc, nchunk, rpw)
    x4d = x_flat.reshape(B // 8, DP // 128, 8, 128)

    def embw(m):
        k = m.shape[0]
        return (jnp.concatenate([m, jnp.zeros((k, DP - DE), f32)], axis=1)
                .T.astype(bf16))

    def densew(m):
        k = m.shape[0]
        return (jnp.concatenate([m, jnp.zeros((k, NDP - ND), f32)], axis=1)
                .T.astype(bf16))

    cw5 = jnp.concatenate([cross_w, Wo[:D].reshape(1, D)], axis=0)
    cwe = embw(cw5[:, ND:])
    cwd = densew(cw5[:, :ND])
    w1e = jnp.concatenate(
        [W1[ND:], jnp.zeros((DP - DE, H1), f32)], axis=0).astype(bf16)
    w1d = jnp.concatenate(
        [W1[:ND], jnp.zeros((NDP - ND, H1), f32)], axis=0).astype(bf16)

    bcum = jnp.cumsum(cross_b, axis=0)
    beta = jnp.concatenate([
        jnp.zeros((1,), f32),
        jnp.sum(bcum[:NCROSS - 1] * cross_w[1:], axis=1)])
    gamma = jnp.sum(bcum[NCROSS - 1] * Wo[:D, 0])
    betag = jnp.concatenate(
        [beta, gamma[None], jnp.zeros((3,), f32)]).reshape(1, 8)

    woh = Wo[D:].astype(bf16)

    out = _dcn_tc(
        x4d, inputs, cwe, cwd, betag, w1e, w1d,
        b1.reshape(1, H1), W2.astype(bf16), b2.reshape(1, H2),
        W3.astype(bf16), b3.reshape(1, OUT_DIM), woh, bo.reshape(1, 1))
    return out.reshape(B, 1)

# --- scband reference (transcript-rebuilt; emitter-appended) ---
"""Pipeline reference for scband-dcn-37168646980132 (READ-ONLY COPY).

The authoritative reference and input builder live on the scoring server;
editing this copy changes nothing except your own understanding.
"""

import jax, jax.numpy as jnp
import numpy as np

B = 4096
N_DENSE = 13
N_SPARSE = 26
VOCAB = 1000
EMB = 32
D = N_DENSE + N_SPARSE * EMB  # 845
H1, H2, OUT_DIM = 1024, 1024, 256
N_CROSS = 4


def setup_inputs(seed: int = 0) -> dict:
    key = jax.random.key(seed)
    ks = jax.random.split(key, 12)
    dense = jax.random.normal(ks[0], (B, N_DENSE), dtype=jnp.float32)
    sparse = jax.random.randint(ks[1], (B, N_SPARSE), 0, VOCAB).astype(jnp.float32)
    inputs = jnp.concatenate([dense, sparse], axis=1)
    embed_tables = jax.random.normal(ks[2], (N_SPARSE, VOCAB, EMB), dtype=jnp.float32) * 0.05
    cross_w = jax.random.normal(ks[3], (N_CROSS, D), dtype=jnp.float32) * 0.05
    cross_b = jnp.zeros((N_CROSS, D), dtype=jnp.float32)
    W1 = jax.random.normal(ks[4], (D, H1), dtype=jnp.float32) * 0.03
    b1 = jnp.zeros((H1,), dtype=jnp.float32)
    W2 = jax.random.normal(ks[5], (H1, H2), dtype=jnp.float32) * 0.03
    b2 = jnp.zeros((H2,), dtype=jnp.float32)
    W3 = jax.random.normal(ks[6], (H2, OUT_DIM), dtype=jnp.float32) * 0.03
    b3 = jnp.zeros((OUT_DIM,), dtype=jnp.float32)
    Wo = jax.random.normal(ks[7], (D + OUT_DIM, 1), dtype=jnp.float32) * 0.03
    bo = jnp.zeros((1,), dtype=jnp.float32)
    return {"inputs": inputs, "embed_tables": embed_tables, "cross_w": cross_w,
            "cross_b": cross_b, "W1": W1, "b1": b1, "W2": W2, "b2": b2,
            "W3": W3, "b3": b3, "Wo": Wo, "bo": bo}


def reference(inputs, embed_tables, cross_w, cross_b, W1, b1, W2, b2, W3, b3, Wo, bo):
    dense_inputs = inputs[:, :N_DENSE]
    sparse_idx = inputs[:, N_DENSE:].astype(jnp.int32)  # [B, 26]
    # EmbedLayer: per-field embedding lookup, concat along feature dim
    emb = embed_tables[jnp.arange(N_SPARSE)[None, :], sparse_idx]  # [B, 26, EMB]
    sparse_embed = emb.reshape(emb.shape[0], N_SPARSE * EMB)
    x = jnp.concatenate([dense_inputs, sparse_embed], axis=1)  # [B, D]
    # CrossLayer: x_{l+1} = x0 * (x_l . w_l) + b_l + x_l
    x0 = x
    xl = x
    for i in range(N_CROSS):
        xw = xl @ cross_w[i]  # [B]
        xl = x0 * xw[:, None] + cross_b[i][None, :] + xl
    # DNNLayer
    h = jax.nn.relu(x @ W1 + b1)
    h = jax.nn.relu(h @ W2 + b2)
    h = jax.nn.relu(h @ W3 + b3)
    # concat + output layer + sigmoid
    stack = jnp.concatenate([xl, h], axis=1)
    out = jax.nn.sigmoid(stack @ Wo + bo)
    return out

if __name__ == "__main__":
    import jax
    _d = setup_inputs()
    print(jax.jit(kernel)(*tuple(_d.values())))

</pallas_src>

<mosaic_0001>
#map = affine_map<(d0, d1) -> (0, 0)>
#map1 = affine_map<(d0, d1) -> (0, 0, 0)>
module attributes {stable_mosaic.version = 14 : i64} {
  func.func @body(%arg0: i32, %arg1: i32, %arg2: memref<26000x32xf32, #tpu.memory_space<hbm>>, %arg3: memref<32x28x128xi32, #tpu.memory_space<hbm>>, %arg4: memref<114688x32xf32, #tpu.memory_space<hbm>>, %arg5: memref<28x128xi32, #tpu.memory_space<vmem>>, %arg6: memref<3584x32xf32, #tpu.memory_space<vmem>>, %arg7: memref<!tpu.dma_semaphore, #tpu.memory_space<semaphore_mem>>) attributes {dimension_semantics = [#tpu.dimension_semantics<core_parallel>, #tpu.dimension_semantics<subcore_parallel>], iteration_bounds = array<i64: 2, 16>, scalar_prefetch = 0 : i64, scratch_operands = 3 : i64, tpu.core_type = #tpu.core_type<sc_vector_subcore>, window_params = [{transform_indices = #map}, {transform_indices = #map1}, {transform_indices = #map}]} {
    %mul3A = arith.constant 2 : i32
    %mul3A_0 = arith.muli %arg1, %mul3A : i32
    %add3A = arith.addi %mul3A_0, %arg0 : i32
    "tpu.region"() ({
      %run_scoped3A = tpu.sem_alloc : memref<!tpu.dma_semaphore, #tpu.memory_space<semaphore_mem>>
      %dma_start3A = arith.constant 0 : i32
      %dma_start3A_8 = arith.constant 0 : i32
      %dma_start3A_9 = tpu.memref_slice %arg3[%add3A, %dma_start3A, %dma_start3A_8] : memref<32x28x128xi32, #tpu.memory_space<hbm>> -> memref<1x28x128xi32, #tpu.memory_space<hbm>>
      %dma_start3A_10 = tpu.memref_squeeze %dma_start3A_9 : memref<1x28x128xi32, #tpu.memory_space<hbm>> -> memref<28x128xi32, #tpu.memory_space<hbm>>
      %dma_start3A_11 = arith.constant 0 : i32
      %dma_start3A_12 = arith.constant 0 : i32
      %dma_start3A_13 = tpu.memref_slice %arg3[%add3A, %dma_start3A_11, %dma_start3A_12] : memref<32x28x128xi32, #tpu.memory_space<hbm>> -> memref<1x28x128xi32, #tpu.memory_space<hbm>>
      %dma_start3A_14 = tpu.memref_squeeze %dma_start3A_13 : memref<1x28x128xi32, #tpu.memory_space<hbm>> -> memref<28x128xi32, #tpu.memory_space<hbm>>
      tpu.enqueue_dma source(%dma_start3A_14 : memref<28x128xi32, #tpu.memory_space<hbm>>) target(%arg5 : memref<28x128xi32, #tpu.memory_space<vmem>>) target_semaphore(%run_scoped3A : memref<!tpu.dma_semaphore, #tpu.memory_space<semaphore_mem>>)
      %dma_wait3A = arith.constant 0 : i32
      %dma_wait3A_15 = arith.constant 0 : i32
      %dma_wait3A_16 = tpu.memref_slice %arg3[%add3A, %dma_wait3A, %dma_wait3A_15] : memref<32x28x128xi32, #tpu.memory_space<hbm>> -> memref<1x28x128xi32, #tpu.memory_space<hbm>>
      %dma_wait3A_17 = tpu.memref_squeeze %dma_wait3A_16 : memref<1x28x128xi32, #tpu.memory_space<hbm>> -> memref<28x128xi32, #tpu.memory_space<hbm>>
      %dma_wait3A_18 = arith.constant 0 : i32
      %dma_wait3A_19 = arith.constant 0 : i32
      %dma_wait3A_20 = tpu.memref_slice %arg3[%add3A, %dma_wait3A_18, %dma_wait3A_19] : memref<32x28x128xi32, #tpu.memory_space<hbm>> -> memref<1x28x128xi32, #tpu.memory_space<hbm>>
      %dma_wait3A_21 = tpu.memref_squeeze %dma_wait3A_20 : memref<1x28x128xi32, #tpu.memory_space<hbm>> -> memref<28x128xi32, #tpu.memory_space<hbm>>
      tpu.wait_dma2 semaphore(%run_scoped3A : memref<!tpu.dma_semaphore, #tpu.memory_space<semaphore_mem>>) src(%dma_wait3A_21 : memref<28x128xi32, #tpu.memory_space<hbm>>) dst(%arg5 : memref<28x128xi32, #tpu.memory_space<vmem>>)
      tpu.yield
    }) : () -> ()
    %scan3A = arith.constant 0 : i32
    %scan3A_1 = arith.constant 0 : i32
    %scan3A_2 = arith.constant 7 : i32
    %scan3A_3 = arith.addi %scan3A_1, %scan3A_2 : i32
    %scan3A_4 = arith.constant 1 : i32
    scf.for %scan3A_8 = %scan3A_1 to %scan3A_3 step %scan3A_4  : i32 {
      %mul3A_9 = arith.constant 4 : i32
      %mul3A_10 = arith.muli %scan3A_8, %mul3A_9 : i32
      %add3A_11 = arith.constant 0 : i32
      %add3A_12 = arith.addi %mul3A_10, %add3A_11 : i32
      %mul3A_13 = arith.constant 4 : i32
      %mul3A_14 = arith.muli %scan3A_8, %mul3A_13 : i32
      %add3A_15 = arith.constant 0 : i32
      %add3A_16 = arith.addi %mul3A_14, %add3A_15 : i32
      %mul3A_17 = arith.constant 128 : i32
      %mul3A_18 = arith.muli %add3A_16, %mul3A_17 : i32
      %dma_start3A = arith.constant 0 : i32
      %dma_start3A_19 = tpu.memref_slice %arg6[%mul3A_18, %dma_start3A] : memref<3584x32xf32, #tpu.memory_space<vmem>> -> memref<128x32xf32, #tpu.memory_space<vmem>>
      %dma_start3A_20 = arith.constant 0 : i32
      %dma_start3A_21 = tpu.memref_slice %arg5[%add3A_12, %dma_start3A_20] : memref<28x128xi32, #tpu.memory_space<vmem>> -> memref<1x128xi32, #tpu.memory_space<vmem>>
      %dma_start3A_22 = tpu.memref_squeeze %dma_start3A_21 : memref<1x128xi32, #tpu.memory_space<vmem>> -> memref<128xi32, #tpu.memory_space<vmem>>
      %dma_start3A_23 = arith.constant 0 : i32
      %dma_start3A_24 = arith.constant 0 : i32
      %dma_start3A_25 = tpu.memref_slice %arg2[%dma_start3A_23, %dma_start3A_24] : memref<26000x32xf32, #tpu.memory_space<hbm>> -> memref<26000x32xf32, #tpu.memory_space<hbm>>
      tpu.enqueue_indirect_dma source(%dma_start3A_25 : memref<26000x32xf32, #tpu.memory_space<hbm>>) target(%dma_start3A_19 : memref<128x32xf32, #tpu.memory_space<vmem>>) offsets(%dma_start3A_22 : memref<128xi32, #tpu.memory_space<vmem>>) semaphore(%arg7 : memref<!tpu.dma_semaphore, #tpu.memory_space<semaphore_mem>>)
      %mul3A_26 = arith.constant 4 : i32
      %mul3A_27 = arith.muli %scan3A_8, %mul3A_26 : i32
      %add3A_28 = arith.constant 1 : i32
      %add3A_29 = arith.addi %mul3A_27, %add3A_28 : i32
      %mul3A_30 = arith.constant 4 : i32
      %mul3A_31 = arith.muli %scan3A_8, %mul3A_30 : i32
      %add3A_32 = arith.constant 1 : i32
      %add3A_33 = arith.addi %mul3A_31, %add3A_32 : i32
      %mul3A_34 = arith.constant 128 : i32
      %mul3A_35 = arith.muli %add3A_33, %mul3A_34 : i32
      %dma_start3A_36 = arith.constant 0 : i32
      %dma_start3A_37 = tpu.memref_slice %arg6[%mul3A_35, %dma_start3A_36] : memref<3584x32xf32, #tpu.memory_space<vmem>> -> memref<128x32xf32, #tpu.memory_space<vmem>>
      %dma_start3A_38 = arith.constant 0 : i32
      %dma_start3A_39 = tpu.memref_slice %arg5[%add3A_29, %dma_start3A_38] : memref<28x128xi32, #tpu.memory_space<vmem>> -> memref<1x128xi32, #tpu.memory_space<vmem>>
      %dma_start3A_40 = tpu.memref_squeeze %dma_start3A_39 : memref<1x128xi32, #tpu.memory_space<vmem>> -> memref<128xi32, #tpu.memory_space<vmem>>
      %dma_start3A_41 = arith.constant 0 : i32
      %dma_start3A_42 = arith.constant 0 : i32
      %dma_start3A_43 = tpu.memref_slice %arg2[%dma_start3A_41, %dma_start3A_42] : memref<26000x32xf32, #tpu.memory_space<hbm>> -> memref<26000x32xf32, #tpu.memory_space<hbm>>
      tpu.enqueue_indirect_dma source(%dma_start3A_43 : memref<26000x32xf32, #tpu.memory_space<hbm>>) target(%dma_start3A_37 : memref<128x32xf32, #tpu.memory_space<vmem>>) offsets(%dma_start3A_40 : memref<128xi32, #tpu.memory_space<vmem>>) semaphore(%arg7 : memref<!tpu.dma_semaphore, #tpu.memory_space<semaphore_mem>>)
      %mul3A_44 = arith.constant 4 : i32
      %mul3A_45 = arith.muli %scan3A_8, %mul3A_44 : i32
      %add3A_46 = arith.constant 2 : i32
      %add3A_47 = arith.addi %mul3A_45, %add3A_46 : i32
      %mul3A_48 = arith.constant 4 : i32
      %mul3A_49 = arith.muli %scan3A_8, %mul3A_48 : i32
      %add3A_50 = arith.constant 2 : i32
      %add3A_51 = arith.addi %mul3A_49, %add3A_50 : i32
      %mul3A_52 = arith.constant 128 : i32
      %mul3A_53 = arith.muli %add3A_51, %mul3A_52 : i32
      %dma_start3A_54 = arith.constant 0 : i32
      %dma_start3A_55 = tpu.memref_slice %arg6[%mul3A_53, %dma_start3A_54] : memref<3584x32xf32, #tpu.memory_space<vmem>> -> memref<128x32xf32, #tpu.memory_space<vmem>>
      %dma_start3A_56 = arith.constant 0 : i32
      %dma_start3A_57 = tpu.memref_slice %arg5[%add3A_47, %dma_start3A_56] : memref<28x128xi32, #tpu.memory_space<vmem>> -> memref<1x128xi32, #tpu.memory_space<vmem>>
      %dma_start3A_58 = tpu.memref_squeeze %dma_start3A_57 : memref<1x128xi32, #tpu.memory_space<vmem>> -> memref<128xi32, #tpu.memory_space<vmem>>
      %dma_start3A_59 = arith.constant 0 : i32
      %dma_start3A_60 = arith.constant 0 : i32
      %dma_start3A_61 = tpu.memref_slice %arg2[%dma_start3A_59, %dma_start3A_60] : memref<26000x32xf32, #tpu.memory_space<hbm>> -> memref<26000x32xf32, #tpu.memory_space<hbm>>
      tpu.enqueue_indirect_dma source(%dma_start3A_61 : memref<26000x32xf32, #tpu.memory_space<hbm>>) target(%dma_start3A_55 : memref<128x32xf32, #tpu.memory_space<vmem>>) offsets(%dma_start3A_58 : memref<128xi32, #tpu.memory_space<vmem>>) semaphore(%arg7 : memref<!tpu.dma_semaphore, #tpu.memory_space<semaphore_mem>>)
      %mul3A_62 = arith.constant 4 : i32
      %mul3A_63 = arith.muli %scan3A_8, %mul3A_62 : i32
      %add3A_64 = arith.constant 3 : i32
      %add3A_65 = arith.addi %mul3A_63, %add3A_64 : i32
      %mul3A_66 = arith.constant 4 : i32
      %mul3A_67 = arith.muli %scan3A_8, %mul3A_66 : i32
      %add3A_68 = arith.constant 3 : i32
      %add3A_69 = arith.addi %mul3A_67, %add3A_68 : i32
      %mul3A_70 = arith.constant 128 : i32
      %mul3A_71 = arith.muli %add3A_69, %mul3A_70 : i32
      %dma_start3A_72 = arith.constant 0 : i32
      %dma_start3A_73 = tpu.memref_slice %arg6[%mul3A_71, %dma_start3A_72] : memref<3584x32xf32, #tpu.memory_space<vmem>> -> memref<128x32xf32, #tpu.memory_space<vmem>>
      %dma_start3A_74 = arith.constant 0 : i32
      %dma_start3A_75 = tpu.memref_slice %arg5[%add3A_65, %dma_start3A_74] : memref<28x128xi32, #tpu.memory_space<vmem>> -> memref<1x128xi32, #tpu.memory_space<vmem>>
      %dma_start3A_76 = tpu.memref_squeeze %dma_start3A_75 : memref<1x128xi32, #tpu.memory_space<vmem>> -> memref<128xi32, #tpu.memory_space<vmem>>
      %dma_start3A_77 = arith.constant 0 : i32
      %dma_start3A_78 = arith.constant 0 : i32
      %dma_start3A_79 = tpu.memref_slice %arg2[%dma_start3A_77, %dma_start3A_78] : memref<26000x32xf32, #tpu.memory_space<hbm>> -> memref<26000x32xf32, #tpu.memory_space<hbm>>
      tpu.enqueue_indirect_dma source(%dma_start3A_79 : memref<26000x32xf32, #tpu.memory_space<hbm>>) target(%dma_start3A_73 : memref<128x32xf32, #tpu.memory_space<vmem>>) offsets(%dma_start3A_76 : memref<128xi32, #tpu.memory_space<vmem>>) semaphore(%arg7 : memref<!tpu.dma_semaphore, #tpu.memory_space<semaphore_mem>>)
      %dma_wait3A = arith.constant 0 : i32
      %dma_wait3A_80 = tpu.memref_slice %arg6[%mul3A_18, %dma_wait3A] : memref<3584x32xf32, #tpu.memory_space<vmem>> -> memref<128x32xf32, #tpu.memory_space<vmem>>
      %dma_wait3A_81 = arith.constant 0 : i32
      %dma_wait3A_82 = tpu.memref_slice %arg5[%add3A_12, %dma_wait3A_81] : memref<28x128xi32, #tpu.memory_space<vmem>> -> memref<1x128xi32, #tpu.memory_space<vmem>>
      %dma_wait3A_83 = tpu.memref_squeeze %dma_wait3A_82 : memref<1x128xi32, #tpu.memory_space<vmem>> -> memref<128xi32, #tpu.memory_space<vmem>>
      %dma_wait3A_84 = arith.constant 0 : i32
      %dma_wait3A_85 = arith.constant 0 : i32
      %dma_wait3A_86 = tpu.memref_slice %arg2[%dma_wait3A_84, %dma_wait3A_85] : memref<26000x32xf32, #tpu.memory_space<hbm>> -> memref<26000x32xf32, #tpu.memory_space<hbm>>
      tpu.wait_indirect_dma semaphore(%arg7 : memref<!tpu.dma_semaphore, #tpu.memory_space<semaphore_mem>>) src(%dma_wait3A_86 : memref<26000x32xf32, #tpu.memory_space<hbm>>) dst(%dma_wait3A_80 : memref<128x32xf32, #tpu.memory_space<vmem>>)
      %dma_wait3A_87 = arith.constant 0 : i32
      %dma_wait3A_88 = tpu.memref_slice %arg6[%mul3A_35, %dma_wait3A_87] : memref<3584x32xf32, #tpu.memory_space<vmem>> -> memref<128x32xf32, #tpu.memory_space<vmem>>
      %dma_wait3A_89 = arith.constant 0 : i32
      %dma_wait3A_90 = tpu.memref_slice %arg5[%add3A_29, %dma_wait3A_89] : memref<28x128xi32, #tpu.memory_space<vmem>> -> memref<1x128xi32, #tpu.memory_space<vmem>>
      %dma_wait3A_91 = tpu.memref_squeeze %dma_wait3A_90 : memref<1x128xi32, #tpu.memory_space<vmem>> -> memref<128xi32, #tpu.memory_space<vmem>>
      %dma_wait3A_92 = arith.constant 0 : i32
      %dma_wait3A_93 = arith.constant 0 : i32
      %dma_wait3A_94 = tpu.memref_slice %arg2[%dma_wait3A_92, %dma_wait3A_93] : memref<26000x32xf32, #tpu.memory_space<hbm>> -> memref<26000x32xf32, #tpu.memory_space<hbm>>
      tpu.wait_indirect_dma semaphore(%arg7 : memref<!tpu.dma_semaphore, #tpu.memory_space<semaphore_mem>>) src(%dma_wait3A_94 : memref<26000x32xf32, #tpu.memory_space<hbm>>) dst(%dma_wait3A_88 : memref<128x32xf32, #tpu.memory_space<vmem>>)
      %dma_wait3A_95 = arith.constant 0 : i32
      %dma_wait3A_96 = tpu.memref_slice %arg6[%mul3A_53, %dma_wait3A_95] : memref<3584x32xf32, #tpu.memory_space<vmem>> -> memref<128x32xf32, #tpu.memory_space<vmem>>
      %dma_wait3A_97 = arith.constant 0 : i32
      %dma_wait3A_98 = tpu.memref_slice %arg5[%add3A_47, %dma_wait3A_97] : memref<28x128xi32, #tpu.memory_space<vmem>> -> memref<1x128xi32, #tpu.memory_space<vmem>>
      %dma_wait3A_99 = tpu.memref_squeeze %dma_wait3A_98 : memref<1x128xi32, #tpu.memory_space<vmem>> -> memref<128xi32, #tpu.memory_space<vmem>>
      %dma_wait3A_100 = arith.constant 0 : i32
      %dma_wait3A_101 = arith.constant 0 : i32
      %dma_wait3A_102 = tpu.memref_slice %arg2[%dma_wait3A_100, %dma_wait3A_101] : memref<26000x32xf32, #tpu.memory_space<hbm>> -> memref<26000x32xf32, #tpu.memory_space<hbm>>
      tpu.wait_indirect_dma semaphore(%arg7 : memref<!tpu.dma_semaphore, #tpu.memory_space<semaphore_mem>>) src(%dma_wait3A_102 : memref<26000x32xf32, #tpu.memory_space<hbm>>) dst(%dma_wait3A_96 : memref<128x32xf32, #tpu.memory_space<vmem>>)
      %dma_wait3A_103 = arith.constant 0 : i32
      %dma_wait3A_104 = tpu.memref_slice %arg6[%mul3A_71, %dma_wait3A_103] : memref<3584x32xf32, #tpu.memory_space<vmem>> -> memref<128x32xf32, #tpu.memory_space<vmem>>
      %dma_wait3A_105 = arith.constant 0 : i32
      %dma_wait3A_106 = tpu.memref_slice %arg5[%add3A_65, %dma_wait3A_105] : memref<28x128xi32, #tpu.memory_space<vmem>> -> memref<1x128xi32, #tpu.memory_space<vmem>>
      %dma_wait3A_107 = tpu.memref_squeeze %dma_wait3A_106 : memref<1x128xi32, #tpu.memory_space<vmem>> -> memref<128xi32, #tpu.memory_space<vmem>>
      %dma_wait3A_108 = arith.constant 0 : i32
      %dma_wait3A_109 = arith.constant 0 : i32
      %dma_wait3A_110 = tpu.memref_slice %arg2[%dma_wait3A_108, %dma_wait3A_109] : memref<26000x32xf32, #tpu.memory_space<hbm>> -> memref<26000x32xf32, #tpu.memory_space<hbm>>
      tpu.wait_indirect_dma semaphore(%arg7 : memref<!tpu.dma_semaphore, #tpu.memory_space<semaphore_mem>>) src(%dma_wait3A_110 : memref<26000x32xf32, #tpu.memory_space<hbm>>) dst(%dma_wait3A_104 : memref<128x32xf32, #tpu.memory_space<vmem>>)
    }
    %scan3A_5 = arith.constant 7 : i32
    %mul3A_6 = arith.constant 3584 : i32
    %mul3A_7 = arith.muli %add3A, %mul3A_6 : i32
    "tpu.region"() ({
      %run_scoped3A = tpu.sem_alloc : memref<!tpu.dma_semaphore, #tpu.memory_space<semaphore_mem>>
      %dma_start3A = arith.constant 0 : i32
      %dma_start3A_8 = tpu.memref_slice %arg4[%mul3A_7, %dma_start3A] : memref<114688x32xf32, #tpu.memory_space<hbm>> -> memref<3584x32xf32, #tpu.memory_space<hbm>>
      %dma_start3A_9 = arith.constant 0 : i32
      %dma_start3A_10 = tpu.memref_slice %arg4[%mul3A_7, %dma_start3A_9] : memref<114688x32xf32, #tpu.memory_space<hbm>> -> memref<3584x32xf32, #tpu.memory_space<hbm>>
      tpu.enqueue_dma source(%arg6 : memref<3584x32xf32, #tpu.memory_space<vmem>>) target(%dma_start3A_10 : memref<3584x32xf32, #tpu.memory_space<hbm>>) target_semaphore(%run_scoped3A : memref<!tpu.dma_semaphore, #tpu.memory_space<semaphore_mem>>)
      %dma_wait3A = arith.constant 0 : i32
      %dma_wait3A_11 = tpu.memref_slice %arg4[%mul3A_7, %dma_wait3A] : memref<114688x32xf32, #tpu.memory_space<hbm>> -> memref<3584x32xf32, #tpu.memory_space<hbm>>
      %dma_wait3A_12 = arith.constant 0 : i32
      %dma_wait3A_13 = tpu.memref_slice %arg4[%mul3A_7, %dma_wait3A_12] : memref<114688x32xf32, #tpu.memory_space<hbm>> -> memref<3584x32xf32, #tpu.memory_space<hbm>>
      tpu.wait_dma2 semaphore(%run_scoped3A : memref<!tpu.dma_semaphore, #tpu.memory_space<semaphore_mem>>) src(%arg6 : memref<3584x32xf32, #tpu.memory_space<vmem>>) dst(%dma_wait3A_13 : memref<3584x32xf32, #tpu.memory_space<hbm>>)
      tpu.yield
    }) : () -> ()
    return
  }
}

module attributes {stable_mosaic.version = 14 : i64} {
  func.func @body(%arg0: i32, %arg1: memref<128x7x8x128xf32, #tpu.memory_space<vmem>>, %arg2: memref<1024x39xf32, #tpu.memory_space<vmem>>, %arg3: memref<896x5xbf16, #tpu.memory_space<vmem>>, %arg4: memref<39x5xbf16, #tpu.memory_space<vmem>>, %arg5: memref<1x8xf32, #tpu.memory_space<vmem>>, %arg6: memref<896x1024xbf16, #tpu.memory_space<vmem>>, %arg7: memref<39x1024xbf16, #tpu.memory_space<vmem>>, %arg8: memref<1x1024xf32, #tpu.memory_space<vmem>>, %arg9: memref<1024x1024xbf16, #tpu.memory_space<vmem>>, %arg10: memref<1x1024xf32, #tpu.memory_space<vmem>>, %arg11: memref<1024x256xbf16, #tpu.memory_space<vmem>>, %arg12: memref<1x256xf32, #tpu.memory_space<vmem>>, %arg13: memref<256x1xbf16, #tpu.memory_space<vmem>>, %arg14: memref<1x1xf32, #tpu.memory_space<vmem>>, %arg15: memref<1024xf32, #tpu.memory_space<vmem>>) attributes {dimension_semantics = [#tpu.dimension_semantics<arbitrary>], iteration_bounds = array<i64: 4>, scalar_prefetch = 0 : i64, scratch_operands = 0 : i64, tpu.core_type = #tpu.core_type<tc>, window_params = [{transform_indices = @transform_0, window_bounds = array<i64: 128, 7, 8, 128>}, {transform_indices = @transform_1, window_bounds = array<i64: 1024, 39>}, {pipeline_mode = #tpu.pipeline_mode<synchronous>, transform_indices = @transform_2, window_bounds = array<i64: 896, 5>}, {pipeline_mode = #tpu.pipeline_mode<synchronous>, transform_indices = @transform_3, window_bounds = array<i64: 39, 5>}, {pipeline_mode = #tpu.pipeline_mode<synchronous>, transform_indices = @transform_4, window_bounds = array<i64: 1, 8>}, {pipeline_mode = #tpu.pipeline_mode<synchronous>, transform_indices = @transform_5, window_bounds = array<i64: 896, 1024>}, {pipeline_mode = #tpu.pipeline_mode<synchronous>, transform_indices = @transform_6, window_bounds = array<i64: 39, 1024>}, {pipeline_mode = #tpu.pipeline_mode<synchronous>, transform_indices = @transform_7, window_bounds = array<i64: 1, 1024>}, {pipeline_mode = #tpu.pipeline_mode<synchronous>, transform_indices = @transform_8, window_bounds = array<i64: 1024, 1024>}, {pipeline_mode = #tpu.pipeline_mode<synchronous>, transform_indices = @transform_9, window_bounds = array<i64: 1, 1024>}, {pipeline_mode = #tpu.pipeline_mode<synchronous>, transform_indices = @transform_10, window_bounds = array<i64: 1024, 256>}, {pipeline_mode = #tpu.pipeline_mode<synchronous>, transform_indices = @transform_11, window_bounds = array<i64: 1, 256>}, {pipeline_mode = #tpu.pipeline_mode<synchronous>, transform_indices = @transform_12, window_bounds = array<i64: 256, 1>}, {pipeline_mode = #tpu.pipeline_mode<synchronous>, transform_indices = @transform_13, window_bounds = array<i64: 1, 1>}, {transform_indices = @transform_14, window_bounds = array<i64: 1024>}]} {
    %get3A = arith.constant 0 : index
    %get3A_0 = arith.constant 0 : index
    %get3A_1 = arith.constant 0 : index
    %get3A_2 = arith.constant 0 : index
    %get3A_3 = vector.load %arg1[%get3A, %get3A_0, %get3A_1, %get3A_2] : memref<128x7x8x128xf32, #tpu.memory_space<vmem>>, vector<128x1x8x128xf32>
    %get3A_4 = vector.shape_cast %get3A_3 : vector<128x1x8x128xf32> to vector<128x8x128xf32>
    %reshape3A = vector.shape_cast %get3A_4 : vector<128x8x128xf32> to vector<1024x128xf32>
    %get3A_5 = arith.constant 0 : index
    %get3A_6 = arith.constant 1 : index
    %get3A_7 = arith.constant 0 : index
    %get3A_8 = arith.constant 0 : index
    %get3A_9 = vector.load %arg1[%get3A_5, %get3A_6, %get3A_7, %get3A_8] : memref<128x7x8x128xf32, #tpu.memory_space<vmem>>, vector<128x1x8x128xf32>
    %get3A_10 = vector.shape_cast %get3A_9 : vector<128x1x8x128xf32> to vector<128x8x128xf32>
    %reshape3A_11 = vector.shape_cast %get3A_10 : vector<128x8x128xf32> to vector<1024x128xf32>
    %get3A_12 = arith.constant 0 : index
    %get3A_13 = arith.constant 2 : index
    %get3A_14 = arith.constant 0 : index
    %get3A_15 = arith.constant 0 : index
    %get3A_16 = vector.load %arg1[%get3A_12, %get3A_13, %get3A_14, %get3A_15] : memref<128x7x8x128xf32, #tpu.memory_space<vmem>>, vector<128x1x8x128xf32>
    %get3A_17 = vector.shape_cast %get3A_16 : vector<128x1x8x128xf32> to vector<128x8x128xf32>
    %reshape3A_18 = vector.shape_cast %get3A_17 : vector<128x8x128xf32> to vector<1024x128xf32>
    %get3A_19 = arith.constant 0 : index
    %get3A_20 = arith.constant 3 : index
    %get3A_21 = arith.constant 0 : index
    %get3A_22 = arith.constant 0 : index
    %get3A_23 = vector.load %arg1[%get3A_19, %get3A_20, %get3A_21, %get3A_22] : memref<128x7x8x128xf32, #tpu.memory_space<vmem>>, vector<128x1x8x128xf32>
    %get3A_24 = vector.shape_cast %get3A_23 : vector<128x1x8x128xf32> to vector<128x8x128xf32>
    %reshape3A_25 = vector.shape_cast %get3A_24 : vector<128x8x128xf32> to vector<1024x128xf32>
    %get3A_26 = arith.constant 0 : index
    %get3A_27 = arith.constant 4 : index
    %get3A_28 = arith.constant 0 : index
    %get3A_29 = arith.constant 0 : index
    %get3A_30 = vector.load %arg1[%get3A_26, %get3A_27, %get3A_28, %get3A_29] : memref<128x7x8x128xf32, #tpu.memory_space<vmem>>, vector<128x1x8x128xf32>
    %get3A_31 = vector.shape_cast %get3A_30 : vector<128x1x8x128xf32> to vector<128x8x128xf32>
    %reshape3A_32 = vector.shape_cast %get3A_31 : vector<128x8x128xf32> to vector<1024x128xf32>
    %get3A_33 = arith.constant 0 : index
    %get3A_34 = arith.constant 5 : index
    %get3A_35 = arith.constant 0 : index
    %get3A_36 = arith.constant 0 : index
    %get3A_37 = vector.load %arg1[%get3A_33, %get3A_34, %get3A_35, %get3A_36] : memref<128x7x8x128xf32, #tpu.memory_space<vmem>>, vector<128x1x8x128xf32>
    %get3A_38 = vector.shape_cast %get3A_37 : vector<128x1x8x128xf32> to vector<128x8x128xf32>
    %reshape3A_39 = vector.shape_cast %get3A_38 : vector<128x8x128xf32> to vector<1024x128xf32>
    %get3A_40 = arith.constant 0 : index
    %get3A_41 = arith.constant 6 : index
    %get3A_42 = arith.constant 0 : index
    %get3A_43 = arith.constant 0 : index
    %get3A_44 = vector.load %arg1[%get3A_40, %get3A_41, %get3A_42, %get3A_43] : memref<128x7x8x128xf32, #tpu.memory_space<vmem>>, vector<128x1x8x128xf32>
    %get3A_45 = vector.shape_cast %get3A_44 : vector<128x1x8x128xf32> to vector<128x8x128xf32>
    %reshape3A_46 = vector.shape_cast %get3A_45 : vector<128x8x128xf32> to vector<1024x128xf32>
    %concatenate3A = tpu.concatenate %reshape3A, %reshape3A_11, %reshape3A_18, %reshape3A_25, %reshape3A_32, %reshape3A_39, %reshape3A_46 in 1 : vector<1024x128xf32>, vector<1024x128xf32>, vector<1024x128xf32>, vector<1024x128xf32>, vector<1024x128xf32>, vector<1024x128xf32>, vector<1024x128xf32> -> vector<1024x896xf32>
    %convert_element_type3A = arith.truncf %concatenate3A : vector<1024x896xf32> to vector<1024x896xbf16>
    %get3A_47 = arith.constant 0 : index
    %get3A_48 = arith.constant 0 : index
    %get3A_49 = vector.load %arg2[%get3A_47, %get3A_48] : memref<1024x39xf32, #tpu.memory_space<vmem>>, vector<1024x39xf32>
    %convert_element_type3A_50 = arith.truncf %get3A_49 : vector<1024x39xf32> to vector<1024x39xbf16>
    %get3A_51 = arith.constant 0 : index
    %get3A_52 = arith.constant 0 : index
    %get3A_53 = vector.load %arg3[%get3A_51, %get3A_52] : memref<896x5xbf16, #tpu.memory_space<vmem>>, vector<896x5xbf16>
    %dot_general3A = arith.constant dense<0.000000e+00> : vector<1024x5xf32>
    %dot_general3A_54 = tpu.matmul %convert_element_type3A, %get3A_53, %dot_general3A {dimension_numbers = #tpu.dot_dimension_numbers<[1], [0], [0], [1], [0, 0, 1, 1], [], []>, transpose_lhs_hint = false} : vector<1024x896xbf16>, vector<896x5xbf16>, vector<1024x5xf32> -> vector<1024x5xf32>
    %get3A_55 = arith.constant 0 : index
    %get3A_56 = arith.constant 0 : index
    %get3A_57 = vector.load %arg4[%get3A_55, %get3A_56] : memref<39x5xbf16, #tpu.memory_space<vmem>>, vector<39x5xbf16>
    %dot_general3A_58 = arith.constant dense<0.000000e+00> : vector<1024x5xf32>
    %dot_general3A_59 = tpu.matmul %convert_element_type3A_50, %get3A_57, %dot_general3A_58 {dimension_numbers = #tpu.dot_dimension_numbers<[1], [0], [0], [1], [0, 0, 1, 1], [], []>, transpose_lhs_hint = false} : vector<1024x39xbf16>, vector<39x5xbf16>, vector<1024x5xf32> -> vector<1024x5xf32>
    %add3A = arith.addf %dot_general3A_54, %dot_general3A_59 : vector<1024x5xf32>
    %broadcast_in_dim3A = arith.constant 1.000000e+00 : f32
    %broadcast_in_dim3A_60 = vector.broadcast %broadcast_in_dim3A : f32 to vector<1024x1xf32>
    %slice3A = vector.extract_strided_slice %add3A {offsets = [0, 0], sizes = [1024, 1], strides = [1, 1]} : vector<1024x5xf32> to vector<1024x1xf32>
    %mul3A = arith.mulf %broadcast_in_dim3A_60, %slice3A : vector<1024x1xf32>
    %add3A_61 = arith.addf %broadcast_in_dim3A_60, %mul3A : vector<1024x1xf32>
    %get3A_62 = arith.constant 0 : index
    %get3A_63 = arith.constant 0 : index
    %get3A_64 = vector.load %arg5[%get3A_62, %get3A_63] : memref<1x8xf32, #tpu.memory_space<vmem>>, vector<1x1xf32>
    %get3A_65 = vector.extract %get3A_64[0, 0] : f32 from vector<1x1xf32>
    %add3A_66 = vector.broadcast %get3A_65 : f32 to vector<1024x1xf32>
    %add3A_67 = arith.addf %add3A_61, %add3A_66 : vector<1024x1xf32>
    %slice3A_68 = vector.extract_strided_slice %add3A {offsets = [0, 1], sizes = [1024, 1], strides = [1, 1]} : vector<1024x5xf32> to vector<1024x1xf32>
    %mul3A_69 = arith.mulf %add3A_67, %slice3A_68 : vector<1024x1xf32>
    %add3A_70 = arith.addf %add3A_67, %mul3A_69 : vector<1024x1xf32>
    %get3A_71 = arith.constant 0 : index
    %get3A_72 = arith.constant 1 : index
    %get3A_73 = vector.load %arg5[%get3A_71, %get3A_72] : memref<1x8xf32, #tpu.memory_space<vmem>>, vector<1x1xf32>
    %get3A_74 = vector.extract %get3A_73[0, 0] : f32 from vector<1x1xf32>
    %add3A_75 = vector.broadcast %get3A_74 : f32 to vector<1024x1xf32>
    %add3A_76 = arith.addf %add3A_70, %add3A_75 : vector<1024x1xf32>
    %slice3A_77 = vector.extract_strided_slice %add3A {offsets = [0, 2], sizes = [1024, 1], strides = [1, 1]} : vector<1024x5xf32> to vector<1024x1xf32>
    %mul3A_78 = arith.mulf %add3A_76, %slice3A_77 : vector<1024x1xf32>
    %add3A_79 = arith.addf %add3A_76, %mul3A_78 : vector<1024x1xf32>
    %get3A_80 = arith.constant 0 : index
    %get3A_81 = arith.constant 2 : index
    %get3A_82 = vector.load %arg5[%get3A_80, %get3A_81] : memref<1x8xf32, #tpu.memory_space<vmem>>, vector<1x1xf32>
    %get3A_83 = vector.extract %get3A_82[0, 0] : f32 from vector<1x1xf32>
    %add3A_84 = vector.broadcast %get3A_83 : f32 to vector<1024x1xf32>
    %add3A_85 = arith.addf %add3A_79, %add3A_84 : vector<1024x1xf32>
    %slice3A_86 = vector.extract_strided_slice %add3A {offsets = [0, 3], sizes = [1024, 1], strides = [1, 1]} : vector<1024x5xf32> to vector<1024x1xf32>
    %mul3A_87 = arith.mulf %add3A_85, %slice3A_86 : vector<1024x1xf32>
    %add3A_88 = arith.addf %add3A_85, %mul3A_87 : vector<1024x1xf32>
    %get3A_89 = arith.constant 0 : index
    %get3A_90 = arith.constant 3 : index
    %get3A_91 = vector.load %arg5[%get3A_89, %get3A_90] : memref<1x8xf32, #tpu.memory_space<vmem>>, vector<1x1xf32>
    %get3A_92 = vector.extract %get3A_91[0, 0] : f32 from vector<1x1xf32>
    %add3A_93 = vector.broadcast %get3A_92 : f32 to vector<1024x1xf32>
    %add3A_94 = arith.addf %add3A_88, %add3A_93 : vector<1024x1xf32>
    %get3A_95 = arith.constant 0 : index
    %get3A_96 = arith.constant 4 : index
    %get3A_97 = vector.load %arg5[%get3A_95, %get3A_96] : memref<1x8xf32, #tpu.memory_space<vmem>>, vector<1x1xf32>
    %get3A_98 = vector.extract %get3A_97[0, 0] : f32 from vector<1x1xf32>
    %get3A_99 = arith.constant 0 : index
    %get3A_100 = arith.constant 0 : index
    %get3A_101 = vector.load %arg6[%get3A_99, %get3A_100] : memref<896x1024xbf16, #tpu.memory_space<vmem>>, vector<896x1024xbf16>
    %dot_general3A_102 = arith.constant dense<0.000000e+00> : vector<1024x1024xf32>
    %dot_general3A_103 = tpu.matmul %convert_element_type3A, %get3A_101, %dot_general3A_102 {dimension_numbers = #tpu.dot_dimension_numbers<[1], [0], [0], [1], [0, 0, 1, 1], [], []>, transpose_lhs_hint = false} : vector<1024x896xbf16>, vector<896x1024xbf16>, vector<1024x1024xf32> -> vector<1024x1024xf32>
    %get3A_104 = arith.constant 0 : index
    %get3A_105 = arith.constant 0 : index
    %get3A_106 = vector.load %arg7[%get3A_104, %get3A_105] : memref<39x1024xbf16, #tpu.memory_space<vmem>>, vector<39x1024xbf16>
    %dot_general3A_107 = arith.constant dense<0.000000e+00> : vector<1024x1024xf32>
    %dot_general3A_108 = tpu.matmul %convert_element_type3A_50, %get3A_106, %dot_general3A_107 {dimension_numbers = #tpu.dot_dimension_numbers<[1], [0], [0], [1], [0, 0, 1, 1], [], []>, transpose_lhs_hint = false} : vector<1024x39xbf16>, vector<39x1024xbf16>, vector<1024x1024xf32> -> vector<1024x1024xf32>
    %add3A_109 = arith.addf %dot_general3A_103, %dot_general3A_108 : vector<1024x1024xf32>
    %get3A_110 = arith.constant 0 : index
    %get3A_111 = arith.constant 0 : index
    %get3A_112 = vector.load %arg8[%get3A_110, %get3A_111] : memref<1x1024xf32, #tpu.memory_space<vmem>>, vector<1x1024xf32>
    %add3A_113 = vector.broadcast %get3A_112 : vector<1x1024xf32> to vector<1024x1024xf32>
    %add3A_114 = arith.addf %add3A_109, %add3A_113 : vector<1024x1024xf32>
    %max3A = arith.constant 0.000000e+00 : f32
    %max3A_115 = vector.broadcast %max3A : f32 to vector<1024x1024xf32>
    %max3A_116 = arith.maximumf %add3A_114, %max3A_115 : vector<1024x1024xf32>
    %convert_element_type3A_117 = arith.truncf %max3A_116 : vector<1024x1024xf32> to vector<1024x1024xbf16>
    %get3A_118 = arith.constant 0 : index
    %get3A_119 = arith.constant 0 : index
    %get3A_120 = vector.load %arg9[%get3A_118, %get3A_119] : memref<1024x1024xbf16, #tpu.memory_space<vmem>>, vector<1024x1024xbf16>
    %dot_general3A_121 = arith.constant dense<0.000000e+00> : vector<1024x1024xf32>
    %dot_general3A_122 = tpu.matmul %convert_element_type3A_117, %get3A_120, %dot_general3A_121 {dimension_numbers = #tpu.dot_dimension_numbers<[1], [0], [0], [1], [0, 0, 1, 1], [], []>, transpose_lhs_hint = false} : vector<1024x1024xbf16>, vector<1024x1024xbf16>, vector<1024x1024xf32> -> vector<1024x1024xf32>
    %get3A_123 = arith.constant 0 : index
    %get3A_124 = arith.constant 0 : index
    %get3A_125 = vector.load %arg10[%get3A_123, %get3A_124] : memref<1x1024xf32, #tpu.memory_space<vmem>>, vector<1x1024xf32>
    %add3A_126 = vector.broadcast %get3A_125 : vector<1x1024xf32> to vector<1024x1024xf32>
    %add3A_127 = arith.addf %dot_general3A_122, %add3A_126 : vector<1024x1024xf32>
    %max3A_128 = arith.constant 0.000000e+00 : f32
    %max3A_129 = vector.broadcast %max3A_128 : f32 to vector<1024x1024xf32>
    %max3A_130 = arith.maximumf %add3A_127, %max3A_129 : vector<1024x1024xf32>
    %convert_element_type3A_131 = arith.truncf %max3A_130 : vector<1024x1024xf32> to vector<1024x1024xbf16>
    %get3A_132 = arith.constant 0 : index
    %get3A_133 = arith.constant 0 : index
    %get3A_134 = vector.load %arg11[%get3A_132, %get3A_133] : memref<1024x256xbf16, #tpu.memory_space<vmem>>, vector<1024x256xbf16>
    %dot_general3A_135 = arith.constant dense<0.000000e+00> : vector<1024x256xf32>
    %dot_general3A_136 = tpu.matmul %convert_element_type3A_131, %get3A_134, %dot_general3A_135 {dimension_numbers = #tpu.dot_dimension_numbers<[1], [0], [0], [1], [0, 0, 1, 1], [], []>, transpose_lhs_hint = false} : vector<1024x1024xbf16>, vector<1024x256xbf16>, vector<1024x256xf32> -> vector<1024x256xf32>
    %get3A_137 = arith.constant 0 : index
    %get3A_138 = arith.constant 0 : index
    %get3A_139 = vector.load %arg12[%get3A_137, %get3A_138] : memref<1x256xf32, #tpu.memory_space<vmem>>, vector<1x256xf32>
    %add3A_140 = vector.broadcast %get3A_139 : vector<1x256xf32> to vector<1024x256xf32>
    %add3A_141 = arith.addf %dot_general3A_136, %add3A_140 : vector<1024x256xf32>
    %max3A_142 = arith.constant 0.000000e+00 : f32
    %max3A_143 = vector.broadcast %max3A_142 : f32 to vector<1024x256xf32>
    %max3A_144 = arith.maximumf %add3A_141, %max3A_143 : vector<1024x256xf32>
    %convert_element_type3A_145 = arith.truncf %max3A_144 : vector<1024x256xf32> to vector<1024x256xbf16>
    %slice3A_146 = vector.extract_strided_slice %add3A {offsets = [0, 4], sizes = [1024, 1], strides = [1, 1]} : vector<1024x5xf32> to vector<1024x1xf32>
    %mul3A_147 = arith.mulf %add3A_94, %slice3A_146 : vector<1024x1xf32>
    %add3A_148 = vector.broadcast %get3A_98 : f32 to vector<1024x1xf32>
    %add3A_149 = arith.addf %mul3A_147, %add3A_148 : vector<1024x1xf32>
    %get3A_150 = arith.constant 0 : index
    %get3A_151 = arith.constant 0 : index
    %get3A_152 = vector.load %arg13[%get3A_150, %get3A_151] : memref<256x1xbf16, #tpu.memory_space<vmem>>, vector<256x1xbf16>
    %dot_general3A_153 = arith.constant dense<0.000000e+00> : vector<1024x1xf32>
    %dot_general3A_154 = tpu.matmul %convert_element_type3A_145, %get3A_152, %dot_general3A_153 {dimension_numbers = #tpu.dot_dimension_numbers<[1], [0], [0], [1], [0, 0, 1, 1], [], []>, transpose_lhs_hint = false} : vector<1024x256xbf16>, vector<256x1xbf16>, vector<1024x1xf32> -> vector<1024x1xf32>
    %add3A_155 = arith.addf %add3A_149, %dot_general3A_154 : vector<1024x1xf32>
    %get3A_156 = arith.constant 0 : index
    %get3A_157 = arith.constant 0 : index
    %get3A_158 = vector.load %arg14[%get3A_156, %get3A_157] : memref<1x1xf32, #tpu.memory_space<vmem>>, vector<1x1xf32>
    %get3A_159 = vector.extract %get3A_158[0, 0] : f32 from vector<1x1xf32>
    %add3A_160 = vector.broadcast %get3A_159 : f32 to vector<1024x1xf32>
    %add3A_161 = arith.addf %add3A_155, %add3A_160 : vector<1024x1xf32>
    %neg3A = arith.constant 0.000000e+00 : f32
    %neg3A_162 = vector.broadcast %neg3A : f32 to vector<1024x1xf32>
    %neg3A_163 = arith.subf %neg3A_162, %add3A_161 : vector<1024x1xf32>
    %exp3A = math.exp %neg3A_163 : vector<1024x1xf32>
    %add3A_164 = arith.constant 1.000000e+00 : f32
    %add3A_165 = vector.broadcast %add3A_164 : f32 to vector<1024x1xf32>
    %add3A_166 = arith.addf %add3A_165, %exp3A : vector<1024x1xf32>
    %div3A = arith.constant 1.000000e+00 : f32
    %div3A_167 = vector.broadcast %div3A : f32 to vector<1024x1xf32>
    %div3A_168 = arith.divf %div3A_167, %add3A_166 : vector<1024x1xf32>
    %squeeze3A = vector.shape_cast %div3A_168 : vector<1024x1xf32> to vector<1024xf32>
    %swap3A = arith.constant 0 : index
    %swap3A_169 = vector.load %arg15[%swap3A] : memref<1024xf32, #tpu.memory_space<vmem>>, vector<1024xf32>
    tpu.vector_store %arg15[%swap3A], %squeeze3A {strides = array<i32>} : memref<1024xf32, #tpu.memory_space<vmem>>, vector<1024xf32>,
    return
  }
  func.func @transform_0(%arg0: i32) -> (i32, i32, i32, i32) {
    %c0_i32 = arith.constant 0 : i32
    %c0_i32_0 = arith.constant 0 : i32
    %c0_i32_1 = arith.constant 0 : i32
    %c0_i32_2 = arith.constant 0 : i32
    return %arg0, %c0_i32, %c0_i32_0, %c0_i32_1 : i32, i32, i32, i32
  }
  func.func @transform_1(%arg0: i32) -> (i32, i32) {
    %c0_i32 = arith.constant 0 : i32
    %c0_i32_0 = arith.constant 0 : i32
    return %arg0, %c0_i32 : i32, i32
  }
  func.func @transform_2(%arg0: i32) -> (i32, i32) {
    %c0_i32 = arith.constant 0 : i32
    %c0_i32_0 = arith.constant 0 : i32
    %c0_i32_1 = arith.constant 0 : i32
    return %c0_i32, %c0_i32_0 : i32, i32
  }
  func.func @transform_3(%arg0: i32) -> (i32, i32) {
    %c0_i32 = arith.constant 0 : i32
    %c0_i32_0 = arith.constant 0 : i32
    %c0_i32_1 = arith.constant 0 : i32
    return %c0_i32, %c0_i32_0 : i32, i32
  }
  func.func @transform_4(%arg0: i32) -> (i32, i32) {
    %c0_i32 = arith.constant 0 : i32
    %c0_i32_0 = arith.constant 0 : i32
    %c0_i32_1 = arith.constant 0 : i32
    return %c0_i32, %c0_i32_0 : i32, i32
  }
  func.func @transform_5(%arg0: i32) -> (i32, i32) {
    %c0_i32 = arith.constant 0 : i32
    %c0_i32_0 = arith.constant 0 : i32
    %c0_i32_1 = arith.constant 0 : i32
    return %c0_i32, %c0_i32_0 : i32, i32
  }
  func.func @transform_6(%arg0: i32) -> (i32, i32) {
    %c0_i32 = arith.constant 0 : i32
    %c0_i32_0 = arith.constant 0 : i32
    %c0_i32_1 = arith.constant 0 : i32
    return %c0_i32, %c0_i32_0 : i32, i32
  }
  func.func @transform_7(%arg0: i32) -> (i32, i32) {
    %c0_i32 = arith.constant 0 : i32
    %c0_i32_0 = arith.constant 0 : i32
    %c0_i32_1 = arith.constant 0 : i32
    return %c0_i32, %c0_i32_0 : i32, i32
  }
  func.func @transform_8(%arg0: i32) -> (i32, i32) {
    %c0_i32 = arith.constant 0 : i32
    %c0_i32_0 = arith.constant 0 : i32
    %c0_i32_1 = arith.constant 0 : i32
    return %c0_i32, %c0_i32_0 : i32, i32
  }
  func.func @transform_9(%arg0: i32) -> (i32, i32) {
    %c0_i32 = arith.constant 0 : i32
    %c0_i32_0 = arith.constant 0 : i32
    %c0_i32_1 = arith.constant 0 : i32
    return %c0_i32, %c0_i32_0 : i32, i32
  }
  func.func @transform_10(%arg0: i32) -> (i32, i32) {
    %c0_i32 = arith.constant 0 : i32
    %c0_i32_0 = arith.constant 0 : i32
    %c0_i32_1 = arith.constant 0 : i32
    return %c0_i32, %c0_i32_0 : i32, i32
  }
  func.func @transform_11(%arg0: i32) -> (i32, i32) {
    %c0_i32 = arith.constant 0 : i32
    %c0_i32_0 = arith.constant 0 : i32
    %c0_i32_1 = arith.constant 0 : i32
    return %c0_i32, %c0_i32_0 : i32, i32
  }
  func.func @transform_12(%arg0: i32) -> (i32, i32) {
    %c0_i32 = arith.constant 0 : i32
    %c0_i32_0 = arith.constant 0 : i32
    %c0_i32_1 = arith.constant 0 : i32
    return %c0_i32, %c0_i32_0 : i32, i32
  }
  func.func @transform_13(%arg0: i32) -> (i32, i32) {
    %c0_i32 = arith.constant 0 : i32
    %c0_i32_0 = arith.constant 0 : i32
    %c0_i32_1 = arith.constant 0 : i32
    return %c0_i32, %c0_i32_0 : i32, i32
  }
  func.func @transform_14(%arg0: i32) -> i32 {
    %c0_i32 = arith.constant 0 : i32
    return %arg0 : i32
  }
}

</mosaic_0001>

<sc_bundles>
// kernel: kernel.4.cloned.1.call-start
scs
__scs_entry_jumppad:
0x0: {  	(pc) =	sbr.rel $0x88, $3  }
0x1: {  	(tag) =	ssettag $0x0;
	lr =	simm.s32 $0x1  }
0x2: {  	[smem:$0x3F95] =	sst lr;
	_ =	strace $0xD0000000  }
0x3: {  	_ = 	snop  }
0x4: {  	_ = 	snop  }
0x5: {  	_ = 	snop  }
0x6: {  	_ = 	snop  }
0x7: {  	_ = 	snop  }
__scs_overlays_trampoline_lowered:
0x8: {  	[smem:$0x3FA4] =	sst s0  }
0x9: {  	[smem:$0x3FA5] =	sst s1  }
0xa: {  	[smem:$0x3FA6] =	sst s2  }
0xb: {  	[smem:$0x3FA7] =	sst s3  }
0xc: {  	[smem:$0x3FA8] =	sst s4  }
0xd: {  	[smem:$0x3FA9] =	sst s5  }
0xe: {  	[smem:$0x3FAA] =	sst s6  }
0xf: {  	[smem:$0x3FAB] =	sst s7  }
0x10: {  	[smem:$0x3FAC] =	sst s8  }
0x11: {  	[smem:$0x3FAD] =	sst s9;
	s0 =	simm.s32 @!p0 $0x0  }
0x12: {  	s1 =	sld [smem:$0x3F93];
	s0 =	simm.s32 @p0 $0x1  }
0x13: {  	[smem:$0x3FAE] =	sst s0;
	s0 =	simm.s32 @!p1 $0x0  }
0x14: {  	s2 =	sld [smem:$0x3F92];
	s0 =	simm.s32 @p1 $0x1  }
0x15: {  	[smem:$0x3FAF] =	sst s0;
	s0 =	simm.s32 @!p2 $0x0  }
0x16: {  	s3 =	sld [smem:$0x3FDB];
	s0 =	simm.s32 @p2 $0x1  }
0x17: {  	s4 =	simm.s32 $0x1BF5;
	[smem:$0x3FB1] =	sst s0  }
0x18: {  	s0 =	sld [smem:$0x3F94];
	_ =	swait.ge [sflag:s4], $0x0  }
0x19: {  	s7 =	sld [smem:$0x3F95]  }
0x1a: {  	s8 =	sadd.s32 $0xFFFFE003, lr  }
0x1b: {  	s9 =	sadd.s32 $0xFFFFFEF7, lr;
	s5 =	simm.s32 $0xFFFFFFFF;
	p2 =	slt.u32 s8, $0xFFFFF086  }
0x1c: {  	p1 =	slt.u32 s9, $0xF7A;
	s5 =	simm.s32 @!p2 $0x0  }
0x1d: {  	s5 =	simm.s32 @p1 $0x1;
	p0 =	seq.s32 s7, s2  }
0x1e: {  	s7 =	smul.u32 @!p0 $0xF7A, s2;
	p2 =	seq.s32 @!p0 s5, $0x0  }
0x1f: {  	s9 =	smul.u32 $0xF7A, s1;
	s8 =	simm.s32 @!p0 $0x1BF5;
	p2 =	por !p2, p0  }
0x20: {  	[sflag:s8] =	ssyncset.s32 @!p0 $0xFFFFF086;
	s6 =	sadd.s32 @!p0 s3, s7;
	s7 =	simm.s32 @!p0 $0x108  }
0x21: {  	s3 =	sadd.s32 s3, s9;
	s6 =	sadd.s32 @!p0 $0x88, s6;
	s7 =	simm.s32 @p2 $0x1082  }
0x22: {  	[simem:s7], [sflag:s8] =	dma.local @!p0 [hbm:s6], $0xF7A  }
0x23: {  	s9 =	sor.u32 $0xD0000000, s2;
	s6 =	simm.s32 $0x108;
	_ =	swait.ge @!p0 [sflag:s8], $0x0  }
0x24: {  	s3 =	sadd.s32 $0x88, s3;
	s6 =	simm.s32 @!p1 $0x1082;
	[sflag:s4] =	ssyncset.s32 $0xFFFFF086  }
0x25: {  	[simem:s6], [sflag:s4] =	dma.local [hbm:s3], $0xF7A  }
0x26: {  	[smem:$0x3F95] =	sst s1;
	(tag) =	ssettag s2;
	_ =	strace s9  }
0x27: {  	s1 =	sld [smem:$0x3FA5]  }
0x28: {  	s2 =	sld [smem:$0x3FA6]  }
0x29: {  	s4 =	sld [smem:$0x3FA8]  }
0x2a: {  	p0 =	seq.s32 s5, $0x0;
	s5 =	sld [smem:$0x3FA9]  }
0x2b: {  	s6 =	sld [smem:$0x3FAA]  }
0x2c: {  	s7 =	sld [smem:$0x3FAB]  }
0x2d: {  	s3 =	simm.s32 $0x108;
	s8 =	sld [smem:$0x3FAC]  }
0x2e: {  	s3 =	simm.s32 @!p0 $0x1082;
	s9 =	sld [smem:$0x3FAD]  }
0x2f: {  	lr =	sadd.s32 s0, s3;
	s0 =	sld [smem:$0x3FA4]  }
0x30: {  	s3 =	sld [smem:$0x3FA7]  }
0x31: {  	[smem:$0x3FB0] =	sst s10  }
0x32: {  	s10 =	sld [smem:$0x3FAE];
	_ =	sdelay $0x3  }
0x33: {  	p0 =	seq.s32 s10, $0x1;
	s10 =	sld [smem:$0x3FB0];
	_ =	sdelay $0x3  }
0x34: {  	[smem:$0x3FB0] =	sst s10  }
0x35: {  	s10 =	sld [smem:$0x3FAF];
	_ =	sdelay $0x3  }
0x36: {  	p1 =	seq.s32 s10, $0x1;
	s10 =	sld [smem:$0x3FB0];
	_ =	sdelay $0x3  }
0x37: {  	[smem:$0x3FB0] =	sst s10  }
0x38: {  	s10 =	sld [smem:$0x3FB1]  }
0x39: {  	_ = 	snop;
	(pc) =	sbr.ind lr, $3  }
0x3a: {  	_ = 	snop  }
0x3b: {  	_ = 	snop  }
0x3c: {  	p2 =	seq.s32 s10, $0x1;
	s10 =	sld [smem:$0x3FB0]  }
0x3d: {  	_ =	shalt  }
0x3e: {  	_ =	shalt  }
0x3f: {  	_ =	shalt  }
0x40: {  	_ =	shalt  }
0x41: {  	_ =	shalt  }
0x42: {  	_ =	shalt  }
0x43: {  	_ =	shalt  }
0x44: {  	_ =	shalt  }
0x45: {  	_ =	shalt  }
0x46: {  	_ =	shalt  }
0x47: {  	_ =	shalt  }
0x48: {  	_ =	shalt  }
0x49: {  	_ =	shalt  }
0x4a: {  	_ =	shalt  }
0x4b: {  	_ =	shalt  }
0x4c: {  	_ =	shalt  }
0x4d: {  	_ =	shalt  }
0x4e: {  	_ =	shalt  }
0x4f: {  	_ =	shalt  }
0x50: {  	_ =	shalt  }
0x51: {  	_ =	shalt  }
0x52: {  	_ =	shalt  }
0x53: {  	_ =	shalt  }
0x54: {  	_ =	shalt  }
0x55: {  	_ =	shalt  }
0x56: {  	_ =	shalt  }
0x57: {  	_ =	shalt  }
0x58: {  	_ =	shalt  }
0x59: {  	_ =	shalt  }
0x5a: {  	_ =	shalt  }
0x5b: {  	_ =	shalt  }
0x5c: {  	_ =	shalt  }
0x5d: {  	_ =	shalt  }
0x5e: {  	_ =	shalt  }
0x5f: {  	_ =	shalt  }
0x60: {  	_ =	shalt  }
0x61: {  	_ =	shalt  }
0x62: {  	_ =	shalt  }
0x63: {  	_ =	shalt  }
0x64: {  	_ =	shalt  }
0x65: {  	_ =	shalt  }
0x66: {  	_ =	shalt  }
0x67: {  	_ =	shalt  }
0x68: {  	_ =	shalt  }
0x69: {  	_ =	shalt  }
0x6a: {  	_ =	shalt  }
0x6b: {  	_ =	shalt  }
0x6c: {  	_ =	shalt  }
0x6d: {  	_ =	shalt  }
0x6e: {  	_ =	shalt  }
0x6f: {  	_ =	shalt  }
0x70: {  	_ =	shalt  }
0x71: {  	_ =	shalt  }
0x72: {  	_ =	shalt  }
0x73: {  	_ =	shalt  }
0x74: {  	_ =	shalt  }
0x75: {  	_ =	shalt  }
0x76: {  	_ =	shalt  }
0x77: {  	_ =	shalt  }
0x78: {  	_ =	shalt  }
0x79: {  	_ =	shalt  }
0x7a: {  	_ =	shalt  }
0x7b: {  	_ =	shalt  }
0x7c: {  	_ =	shalt  }
0x7d: {  	_ =	shalt  }
0x7e: {  	_ =	shalt  }
0x7f: {  	_ =	shalt  }
0x80: {  	_ =	shalt  }
0x81: {  	_ =	shalt  }
0x82: {  	_ =	shalt  }
0x83: {  	_ =	shalt  }
0x84: {  	_ =	shalt  }
0x85: {  	_ =	shalt  }
0x86: {  	_ =	shalt  }
0x87: {  	_ =	shalt  }
.Lfunc_end0:
.L_simem_size_0:
called_computation_lowered:
.L_overlay_start_0:
0x88: {  	s2 =	sld [smem:$0x3FD9]  }
0x89: {  	s3 =	sld [smem:$0x3FFE];
	_ =	sdelay $0x1  }
0x8a: {  	s1 =	srdreg.scid  }
0x8b: {  	s0 =	sand.u32 $0x1, s1  }
0x8c: {  	s16 =	sshll.u32 s0, $0xA;
	s2 =	sadd.s32 s3, s2  }
0x8d: {  	s2 =	sadd.s32 s2, s16  }
0x8e: {  	[smem:$0x3FBC] =	sst s2  }
0x8f: {  	_ = 	snop  }
0x90: {  	(tm) =	ssettm $0x1  }
0x91: {  	s17 =	sld [smem:$0x3FFB];
	_ =	sdelay $0x3  }
0x92: {  	_ =	strace s17  }
0x93: {  	s2 =	sld [smem:$0x3FFC];
	_ =	sdelay $0x3  }
0x94: {  	_ =	strace s2  }
0x95: {  	s2 =	sld [smem:$0x3FFD];
	_ =	sdelay $0x3  }
0x96: {  	_ =	strace s2  }
0x97: {  	_ =	strace $0x8FFFFFFF  }
0x98: {  	s18 =	sld [smem:$0x3FDB];
	_ =	sdelay $0x1  }
0x99: {  	s19 =	simm.s32 $_scs_section_size  }
0x9a: {  	s4 =	simm.s32 $_size__tile_overlayer_lowered;
	s5 =	simm.s32 $_tile_overlayer_lowered  }
0x9b: {  	s22 =	simm.s32 $0x1BFF;
	s21 =	sshll.u32 s5, $0x1;
	s2 =	sadd.s32 s19, s18  }
0x9c: {  	s6 =	simm.s32 $0x0;
	s20 =	sshll.u32 s4, $0x1;
	s4 =	sadd.s32 s21, s2  }
0x9d: {  	[timem:s6], [sflag:s22] =	dma.local [hbm:s4], s20  }
0x9e: {  	_ =	swait.ge [sflag:s22], s20  }
0x9f: {  	s3 =	ssub.s32 $0x0, s20;
	[sflag:s22] =	ssyncset.done $0x0  }
0xa0: {  	[sflag:s22] =	ssyncadd.s32 s3;
	_ =	sdelay $0x1  }
0xa1: {  	s23 =	simm.s32 $0x1B8B  }
0xa2: {  	_ =	swait.ge [sflag:s23], $0x1  }
0xa3: {  	[sflag:s23] =	ssyncset.done $0x0  }
0xa4: {  	s25 =	simm.s32 $0x1B8E;
	s24 =	sld [smem:$0x3FFE];
	[sflag:s23] =	ssyncadd.s32 $0xFFFFFFFF  }
0xa5: {  	s26 =	simm.s32 $execute0_lowered;
	[smem:$0x3FD2] =	sst s25  }
0xa6: {  	s4 =	sshll.u32 s26, $0x1;
	_ =	strace $0x80000046;
	[dreg:$0x1] =	wrdreg $0xFFFFFFFF  }
0xa7: {  	s28 =	simm.s32 $_size_execute0_lowered;
	s2 =	sadd.s32 s2, s4;
	[dreg:$0x0] =	wrdreg $0x0  }
0xa8: {  	s4 =	sshll.u32 s28, $0x1;
	[dreg:$0x2] =	wrdreg s2  }
0xa9: {  	[dreg:$0x3] =	wrdreg s4  }
0xaa: {  	[dreg:$0x4] =	wrdreg $0xC0  }
0xab: {  	_ =	task [dreg:s6], $0x5FFFF  }
0xac: {  	[dreg:$0x1] =	wrdreg $0xFFFFFFFF  }
0xad: {  	[dreg:$0x0] =	wrdreg $0x60  }
0xae: {  	[dreg:$0x2] =	wrdreg s24  }
0xaf: {  	[dreg:$0x3] =	wrdreg $0x9  }
0xb0: {  	_ =	task.clear_ibuf [dreg:s6], $0x4FFFF;
	_ =	strace $0x90000046  }
0xb1: {  	s29 =	simm.s32 $0x9;
	_ =	strace $0x80000048  }
0xb2: {  	_ =	swait.ge [sflag:s29], $0x1  }
0xb3: {  	[sflag:s29] =	ssyncadd.s32 $0xFFFFFFFF  }
0xb4: {  	_ =	strace $0x90000048  }
0xb5: {  	_ =	sfence  }
0xb6: {  	s30 =	sld [smem:$0x0];
	_ =	sdelay $0x2  }
0xb7: {  	s31 =	sshll.u32 s1, $0xD;
	s1 =	sshrl.u32 s1, $0x2  }
0xb8: {  	s3 =	sand.u32 $0x4000, s31;
	s1 =	sadd.s32 s1, s30  }
0xb9: {  	s0 =	sor.u32 s3, s0;
	s1 =	sshll.u32 s1, $0x11  }
0xba: {  	s0 =	sor.u32 s1, s0  }
0xbb: {  	s0 =	sadd.s32 $0x8F2B, s0  }
0xbc: {  	[sflag:s0] =	ssyncadd.remote.s32 $0x1  }
0xbd: {  	_ =	sfence.sel $0xFFFF  }
0xbe: {  	[dreg:$0x0] =	wrdreg $0xFFFFFFFF;
	(pc) =	sbr.abs _section_cstart, $3  }
0xbf: {  	[dreg:$0x1] =	wrdreg $0xFFFFFFFF  }
0xc0: {  	_ =	task.clear_ibuf [dreg:s6], $0x2FFFF;
	_ =	strace $0x9FFFFFFF  }
0xc1: {  	(tm) =	ssettm $0x7FFFFFFF  }
tec
execute0_lowered:
.L_overlay_start_1:
0x0: {  	(tag) =	ssettag $0x1  }
0x1: {  	s1 =	srdreg.scid;
	s0 =	stileid.u32  }
0x2: {  	s1 =	sand.u32 $0x1, s1;
	s2 =	sshll.u32 s0, $0x1  }
0x3: {  	s4 =	rddreg [dreg:$0x0];
	s3 =	sor.u32 s1, s2;
	s2 =	simm.s32 $0x0  }
0x4: {  	s11 =	simm.s32 $0x1E00;
	[smem:$0x7FF] =	sst s2  }
0x5: {  	s12 =	simm.s32 $0x100;
	_ =	strace $0x80000047;
	[dreg:$0x4] =	wrdreg s11  }
0x6: {  	s13 =	simm.s32 $0x2E00;
	[dreg:$0x5] =	wrdreg s12  }
0x7: {  	s14 =	simm.s32 $0x180;
	[dreg:$0x6] =	wrdreg s13  }
0x8: {  	s15 =	simm.s32 $0x3E00;
	[dreg:$0x7] =	wrdreg s14  }
0x9: {  	s16 =	simm.s32 $0x200;
	[dreg:$0x8] =	wrdreg s15  }
0xa: {  	s17 =	simm.s32 $0x4E00;
	[dreg:$0x9] =	wrdreg s16  }
0xb: {  	s18 =	simm.s32 $0x280;
	[dreg:$0xa] =	wrdreg s17  }
0xc: {  	s19 =	simm.s32 $0x5E00;
	[dreg:$0xb] =	wrdreg s18  }
0xd: {  	s20 =	simm.s32 $0x300;
	[dreg:$0xc] =	wrdreg s19  }
0xe: {  	s21 =	simm.s32 $0x6E00;
	[dreg:$0xd] =	wrdreg s20  }
0xf: {  	s22 =	simm.s32 $0x380;
	[dreg:$0xe] =	wrdreg s21  }
0x10: {  	s23 =	simm.s32 $0x7E00;
	[dreg:$0xf] =	wrdreg s22  }
0x11: {  	s24 =	simm.s32 $0x400;
	[dreg:$0x10] =	wrdreg s23  }
0x12: {  	s25 =	simm.s32 $0x8E00;
	[dreg:$0x11] =	wrdreg s24  }
0x13: {  	s26 =	simm.s32 $0x480;
	[dreg:$0x12] =	wrdreg s25  }
0x14: {  	s0 =	simm.s32 $0x9E00;
	[dreg:$0x13] =	wrdreg s26  }
0x15: {  	s6 =	simm.s32 $0xAE00;
	[dreg:$0x14] =	wrdreg s0  }
0x16: {  	s7 =	simm.s32 $0x580;
	[dreg:$0x16] =	wrdreg s6  }
0x17: {  	s8 =	simm.s32 $0xBE00;
	[dreg:$0x17] =	wrdreg s7  }
0x18: {  	s9 =	simm.s32 $0x600;
	[dreg:$0x18] =	wrdreg s8  }
0x19: {  	s10 =	simm.s32 $0xCE00;
	[dreg:$0x19] =	wrdreg s9  }
0x1a: {  	[dreg:$0x1a] =	wrdreg s10;
	s11 =	simm.s32 $0x680  }
0x1b: {  	s12 =	simm.s32 $0xDE00;
	[dreg:$0x1b] =	wrdreg s11  }
0x1c: {  	s13 =	simm.s32 $0x700;
	[dreg:$0x1c] =	wrdreg s12  }
0x1d: {  	s14 =	simm.s32 $0xEE00;
	[dreg:$0x1d] =	wrdreg s13  }
0x1e: {  	s5 =	smul.u32 $0x1C0, s3;
	s15 =	simm.s32 $0x780;
	[dreg:$0x1e] =	wrdreg s14  }
0x1f: {  	s3 =	smul.u32 $0x3800, s3;
	s16 =	simm.s32 $0xFE00;
	[dreg:$0x1f] =	wrdreg s15  }
0x20: {  	s6 =	simm.s32 $0x800;
	s5 =	sadd.s32 s5, s4;
	[smem:$0x7FC] =	sst s16  }
0x21: {  	s3 =	sadd.s32 s3, s4;
	[smem:$0x7FD] =	sst s6;
	s5 =	sadd.s32 $0x200, s5  }
0x22: {  	s3 =	sadd.s32 $0x1D200, s3;
	[dreg:$0x2] =	wrdreg s5  }
0x23: {  	[dreg:$0x3] =	wrdreg s3;
	s5 =	simm.s32 $0x500  }
0x24: {  	[dreg:$0x15] =	wrdreg s5  }
0x25: {  	s3 =	simm.s32 $0x2;
	s5 =	rddreg [dreg:$0x2]  }
0x26: {  	[tilespmem:s2], [sflag:$0x2] =	stream.linear.gather [hbm4b:s5+s2], $0xE00, $0x38;
	[tilespmem:$0x1CE00] =	vst v63  }
0x27: {  	s6 =	simm.s32 $0x80;
	_ =	swait.ge [sflag:s3], $0xE00  }
0x28: {  	s5 =	sadd.s32 $0x3A00, s4;
	[sflag:s3] =	ssyncset.done $0x0;
	s7 =	rddreg [dreg:$0x4]  }
0x29: {  	s4 =	simm.s32 $0xE00;
	s8 =	rddreg [dreg:$0x6];
	[sflag:s3] =	ssyncadd.s32 $0xFFFFF200  }
0x2a: {  	[tilespmem:s4], [sflag:$0x1] =	stream.indirect.gather [hbm4b:s5+s6], $0x20, s2, s6, $0xb8;
	[tilespmem:$0x1CE00] =	vst v63  }
0x2b: {  	s9 =	rddreg [dreg:$0x5]  }
0x2c: {  	[tilespmem:s7], [sflag:$0x1] =	stream.indirect.gather [hbm4b:s5+s6], $0x20, s6, s6, $0xb8;
	[tilespmem:$0x1CE00] =	vst v63  }
0x2d: {  	s10 =	rddreg [dreg:$0x7]  }
0x2e: {  	[tilespmem:s8], [sflag:$0x1] =	stream.indirect.gather [hbm4b:s5+s6], $0x20, s9, s6, $0xb8;
	[tilespmem:$0x1CE00] =	vst v63  }
0x2f: {  	s11 =	rddreg [dreg:$0x8];
	s7 =	simm.s32 $0x1  }
0x30: {  	[tilespmem:s11], [sflag:$0x1] =	stream.indirect.gather [hbm4b:s5+s6], $0x20, s10, s6, $0xb8;
	[tilespmem:$0x1CE00] =	vst v63  }
0x31: {  	_ =	swait.ge [sflag:s7], $0x1000  }
0x32: {  	[sflag:s7] =	ssyncset.done $0x0  }
0x33: {  	[sflag:s7] =	ssyncadd.s32 $0xFFFFF000  }
0x34: {  	_ =	swait.ge [sflag:s7], $0x1000  }
0x35: {  	[sflag:s7] =	ssyncset.done $0x0  }
0x36: {  	[sflag:s7] =	ssyncadd.s32 $0xFFFFF000  }
0x37: {  	_ =	swait.ge [sflag:s7], $0x1000  }
0x38: {  	[sflag:s7] =	ssyncset.done $0x0  }
0x39: {  	[sflag:s7] =	ssyncadd.s32 $0xFFFFF000  }
0x3a: {  	_ =	swait.ge [sflag:s7], $0x1000  }
0x3b: {  	s17 =	rddreg [dreg:$0xc]  }
0x3c: {  	s18 =	rddreg [dreg:$0x9]  }
0x3d: {  	s19 =	rddreg [dreg:$0xa]  }
0x3e: {  	s20 =	rddreg [dreg:$0xb];
	[sflag:s7] =	ssyncset.done $0x0  }
0x3f: {  	s12 =	rddreg [dreg:$0x10];
	[sflag:s7] =	ssyncadd.s32 $0xFFFFF000  }
0x40: {  	[tilespmem:s19], [sflag:$0x1] =	stream.indirect.gather [hbm4b:s5+s6], $0x20, s18, s6, $0xb8;
	[tilespmem:$0x1CE00] =	vst v63  }
0x41: {  	s13 =	rddreg [dreg:$0xd]  }
0x42: {  	[tilespmem:s17], [sflag:$0x1] =	stream.indirect.gather [hbm4b:s5+s6], $0x20, s20, s6, $0xb8;
	[tilespmem:$0x1CE00] =	vst v63  }
0x43: {  	s21 =	rddreg [dreg:$0xe]  }
0x44: {  	[tilespmem:s21], [sflag:$0x1] =	stream.indirect.gather [hbm4b:s5+s6], $0x20, s13, s6, $0xb8;
	[tilespmem:$0x1CE00] =	vst v63  }
0x45: {  	s22 =	rddreg [dreg:$0xf]  }
0x46: {  	[tilespmem:s12], [sflag:$0x1] =	stream.indirect.gather [hbm4b:s5+s6], $0x20, s22, s6, $0xb8;
	[tilespmem:$0x1CE00] =	vst v63  }
0x47: {  	_ =	swait.ge [sflag:s7], $0x1000  }
0x48: {  	[sflag:s7] =	ssyncset.done $0x0  }
0x49: {  	[sflag:s7] =	ssyncadd.s32 $0xFFFFF000  }
0x4a: {  	_ =	swait.ge [sflag:s7], $0x1000  }
0x4b: {  	[sflag:s7] =	ssyncset.done $0x0  }
0x4c: {  	[sflag:s7] =	ssyncadd.s32 $0xFFFFF000  }
0x4d: {  	_ =	swait.ge [sflag:s7], $0x1000  }
0x4e: {  	[sflag:s7] =	ssyncset.done $0x0  }
0x4f: {  	[sflag:s7] =	ssyncadd.s32 $0xFFFFF000  }
0x50: {  	_ =	swait.ge [sflag:s7], $0x1000  }
0x51: {  	s23 =	rddreg [dreg:$0x14]  }
0x52: {  	s24 =	rddreg [dreg:$0x12]  }
0x53: {  	s25 =	rddreg [dreg:$0x11]  }
0x54: {  	s26 =	rddreg [dreg:$0x13];
	[sflag:s7] =	ssyncset.done $0x0  }
0x55: {  	s0 =	rddreg [dreg:$0x18];
	[sflag:s7] =	ssyncadd.s32 $0xFFFFF000  }
0x56: {  	[tilespmem:s24], [sflag:$0x1] =	stream.indirect.gather [hbm4b:s5+s6], $0x20, s25, s6, $0xb8;
	[tilespmem:$0x1CE00] =	vst v63  }
0x57: {  	s14 =	rddreg [dreg:$0x15]  }
0x58: {  	[tilespmem:s23], [sflag:$0x1] =	stream.indirect.gather [hbm4b:s5+s6], $0x20, s26, s6, $0xb8;
	[tilespmem:$0x1CE00] =	vst v63  }
0x59: {  	s15 =	rddreg [dreg:$0x16]  }
0x5a: {  	[tilespmem:s15], [sflag:$0x1] =	stream.indirect.gather [hbm4b:s5+s6], $0x20, s14, s6, $0xb8;
	[tilespmem:$0x1CE00] =	vst v63  }
0x5b: {  	s16 =	rddreg [dreg:$0x17]  }
0x5c: {  	[tilespmem:s0], [sflag:$0x1] =	stream.indirect.gather [hbm4b:s5+s6], $0x20, s16, s6, $0xb8;
	[tilespmem:$0x1CE00] =	vst v63  }
0x5d: {  	_ =	swait.ge [sflag:s7], $0x1000  }
0x5e: {  	[sflag:s7] =	ssyncset.done $0x0  }
0x5f: {  	[sflag:s7] =	ssyncadd.s32 $0xFFFFF000  }
0x60: {  	_ =	swait.ge [sflag:s7], $0x1000  }
0x61: {  	[sflag:s7] =	ssyncset.done $0x0  }
0x62: {  	[sflag:s7] =	ssyncadd.s32 $0xFFFFF000  }
0x63: {  	_ =	swait.ge [sflag:s7], $0x1000  }
0x64: {  	[sflag:s7] =	ssyncset.done $0x0  }
0x65: {  	[sflag:s7] =	ssyncadd.s32 $0xFFFFF000  }
0x66: {  	_ =	swait.ge [sflag:s7], $0x1000  }
0x67: {  	s17 =	sld [smem:$0x7FC]  }
0x68: {  	s18 =	rddreg [dreg:$0x1c]  }
0x69: {  	s19 =	rddreg [dreg:$0x19]  }
0x6a: {  	s20 =	rddreg [dreg:$0x1a];
	[sflag:s7] =	ssyncset.done $0x0  }
0x6b: {  	s21 =	rddreg [dreg:$0x1e];
	[sflag:s7] =	ssyncadd.s32 $0xFFFFF000  }
0x6c: {  	[tilespmem:s20], [sflag:$0x1] =	stream.indirect.gather [hbm4b:s5+s6], $0x20, s19, s6, $0xb8;
	[tilespmem:$0x1CE00] =	vst v63  }
0x6d: {  	s22 =	rddreg [dreg:$0x1b]  }
0x6e: {  	[tilespmem:s18], [sflag:$0x1] =	stream.indirect.gather [hbm4b:s5+s6], $0x20, s22, s6, $0xb8;
	[tilespmem:$0x1CE00] =	vst v63  }
0x6f: {  	s23 =	rddreg [dreg:$0x1d]  }
0x70: {  	[tilespmem:s21], [sflag:$0x1] =	stream.indirect.gather [hbm4b:s5+s6], $0x20, s23, s6, $0xb8;
	[tilespmem:$0x1CE00] =	vst v63  }
0x71: {  	s24 =	rddreg [dreg:$0x1f]  }
0x72: {  	[tilespmem:s17], [sflag:$0x1] =	stream.indirect.gather [hbm4b:s5+s6], $0x20, s24, s6, $0xb8;
	[tilespmem:$0x1CE00] =	vst v63  }
0x73: {  	_ =	swait.ge [sflag:s7], $0x1000  }
0x74: {  	[sflag:s7] =	ssyncset.done $0x0  }
0x75: {  	[sflag:s7] =	ssyncadd.s32 $0xFFFFF000  }
0x76: {  	_ =	swait.ge [sflag:s7], $0x1000  }
0x77: {  	[sflag:s7] =	ssyncset.done $0x0  }
0x78: {  	[sflag:s7] =	ssyncadd.s32 $0xFFFFF000  }
0x79: {  	_ =	swait.ge [sflag:s7], $0x1000  }
0x7a: {  	[sflag:s7] =	ssyncset.done $0x0  }
0x7b: {  	[sflag:s7] =	ssyncadd.s32 $0xFFFFF000  }
0x7c: {  	_ =	swait.ge [sflag:s7], $0x1000  }
0x7d: {  	s25 =	sld [smem:$0x7FD]  }
0x7e: {  	[sflag:s7] =	ssyncset.done $0x0  }
0x7f: {  	s26 =	simm.s32 $0x10E00;
	[sflag:s7] =	ssyncadd.s32 $0xFFFFF000  }
0x80: {  	[tilespmem:s26], [sflag:$0x1] =	stream.indirect.gather [hbm4b:s5+s6], $0x20, s25, s6, $0xb8;
	[tilespmem:$0x1CE00] =	vst v63  }
0x81: {  	s8 =	simm.s32 $0x880;
	s9 =	simm.s32 $0x11E00  }
0x82: {  	[tilespmem:s9], [sflag:$0x1] =	stream.indirect.gather [hbm4b:s5+s6], $0x20, s8, s6, $0xb8;
	[tilespmem:$0x1CE00] =	vst v63  }
0x83: {  	s10 =	simm.s32 $0x900;
	s11 =	simm.s32 $0x12E00  }
0x84: {  	[tilespmem:s11], [sflag:$0x1] =	stream.indirect.gather [hbm4b:s5+s6], $0x20, s10, s6, $0xb8;
	[tilespmem:$0x1CE00] =	vst v63  }
0x85: {  	s13 =	simm.s32 $0x980;
	s14 =	simm.s32 $0x13E00  }
0x86: {  	[tilespmem:s14], [sflag:$0x1] =	stream.indirect.gather [hbm4b:s5+s6], $0x20, s13, s6, $0xb8;
	[tilespmem:$0x1CE00] =	vst v63  }
0x87: {  	_ =	swait.ge [sflag:s7], $0x1000  }
0x88: {  	[sflag:s7] =	ssyncset.done $0x0  }
0x89: {  	[sflag:s7] =	ssyncadd.s32 $0xFFFFF000  }
0x8a: {  	_ =	swait.ge [sflag:s7], $0x1000  }
0x8b: {  	[sflag:s7] =	ssyncset.done $0x0  }
0x8c: {  	[sflag:s7] =	ssyncadd.s32 $0xFFFFF000  }
0x8d: {  	_ =	swait.ge [sflag:s7], $0x1000  }
0x8e: {  	[sflag:s7] =	ssyncset.done $0x0  }
0x8f: {  	[sflag:s7] =	ssyncadd.s32 $0xFFFFF000  }
0x90: {  	_ =	swait.ge [sflag:s7], $0x1000  }
0x91: {  	[sflag:s7] =	ssyncset.done $0x0  }
0x92: {  	s15 =	simm.s32 $0xA00;
	s16 =	simm.s32 $0x14E00;
	[sflag:s7] =	ssyncadd.s32 $0xFFFFF000  }
0x93: {  	[tilespmem:s16], [sflag:$0x1] =	stream.indirect.gather [hbm4b:s5+s6], $0x20, s15, s6, $0xb8;
	[tilespmem:$0x1CE00] =	vst v63  }
0x94: {  	s18 =	simm.s32 $0x15E00;
	s17 =	simm.s32 $0xA80  }
0x95: {  	[tilespmem:s18], [sflag:$0x1] =	stream.indirect.gather [hbm4b:s5+s6], $0x20, s17, s6, $0xb8;
	[tilespmem:$0x1CE00] =	vst v63  }
0x96: {  	s19 =	simm.s32 $0xB00;
	s20 =	simm.s32 $0x16E00  }
0x97: {  	[tilespmem:s20], [sflag:$0x1] =	stream.indirect.gather [hbm4b:s5+s6], $0x20, s19, s6, $0xb8;
	[tilespmem:$0x1CE00] =	vst v63  }
0x98: {  	s22 =	simm.s32 $0x17E00;
	s21 =	simm.s32 $0xB80  }
0x99: {  	[tilespmem:s22], [sflag:$0x1] =	stream.indirect.gather [hbm4b:s5+s6], $0x20, s21, s6, $0xb8;
	[tilespmem:$0x1CE00] =	vst v63  }
0x9a: {  	_ =	swait.ge [sflag:s7], $0x1000  }
0x9b: {  	[sflag:s7] =	ssyncset.done $0x0  }
0x9c: {  	[sflag:s7] =	ssyncadd.s32 $0xFFFFF000  }
0x9d: {  	_ =	swait.ge [sflag:s7], $0x1000  }
0x9e: {  	[sflag:s7] =	ssyncset.done $0x0  }
0x9f: {  	[sflag:s7] =	ssyncadd.s32 $0xFFFFF000  }
0xa0: {  	_ =	swait.ge [sflag:s7], $0x1000  }
0xa1: {  	[sflag:s7] =	ssyncset.done $0x0  }
0xa2: {  	[sflag:s7] =	ssyncadd.s32 $0xFFFFF000  }
0xa3: {  	s1 =	ssub.s32 $0x2, s1;
	_ =	swait.ge [sflag:s7], $0x1000  }
0xa4: {  	s12 =	sshrl.u32 s1, $0x1;
	[sflag:s7] =	ssyncset.done $0x0  }
0xa5: {  	s23 =	simm.s32 $0xC00;
	s24 =	simm.s32 $0x18E00;
	[sflag:s7] =	ssyncadd.s32 $0xFFFFF000  }
0xa6: {  	[tilespmem:s24], [sflag:$0x1] =	stream.indirect.gather [hbm4b:s5+s6], $0x20, s23, s6, $0xb8;
	[tilespmem:$0x1CE00] =	vst v63  }
0xa7: {  	s0 =	ssub.s32 s1, s12;
	s25 =	simm.s32 $0xC80;
	s26 =	simm.s32 $0x19E00  }
0xa8: {  	[tilespmem:s26], [sflag:$0x1] =	stream.indirect.gather [hbm4b:s5+s6], $0x20, s25, s6, $0xb8;
	[tilespmem:$0x1CE00] =	vst v63  }
0xa9: {  	s28 =	simm.s32 $0xD00;
	s29 =	simm.s32 $0x1AE00;
	s0 =	smax.u32 s0, $0x1  }
0xaa: {  	[tilespmem:s29], [sflag:$0x1] =	stream.indirect.gather [hbm4b:s5+s6], $0x20, s28, s6, $0xb8;
	[tilespmem:$0x1CE00] =	vst v63  }
0xab: {  	s30 =	simm.s32 $0xD80;
	s31 =	simm.s32 $0x1BE00;
	p0 =	sne.s32 s0, $0x1  }
0xac: {  	[tilespmem:s31], [sflag:$0x1] =	stream.indirect.gather [hbm4b:s5+s6], $0x20, s30, s6, $0xb8;
	[tilespmem:$0x1CE00] =	vst v63  }
.Ltmp0:
0xad: {  	_ =	swait.ge [sflag:s7], $0x1000;
	(pc) =	sbr.rel @!p0 .LBB2_2-.Ltmp0, $4  }
0xae: {  	[sflag:s7] =	ssyncset.done $0x0  }
0xaf: {  	[sflag:s7] =	ssyncadd.s32 $0xFFFFF000  }
0xb0: {  	_ =	swait.ge [sflag:s7], $0x1000  }
0xb1: {  	s1 =	sadd.s32 $0xFFFFFFFF, s0;
	[sflag:s7] =	ssyncset.done $0x0  }
.LBB2_1:
0xb2: {  	[sflag:s7] =	ssyncadd.s32 $0xFFFFF000  }
0xb3: {  	_ =	swait.ge [sflag:s7], $0x1000  }
0xb4: {  	[sflag:s7] =	ssyncset.done $0x0  }
0xb5: {  	[sflag:s7] =	ssyncadd.s32 $0xFFFFF000  }
0xb6: {  	_ =	swait.ge [sflag:s7], $0x1000  }
0xb7: {  	[sflag:s7] =	ssyncset.done $0x0  }
0xb8: {  	s0 =	rddreg [dreg:$0x3];
	[sflag:s7] =	ssyncadd.s32 $0xFFFFF000  }
0xb9: {  	[hbm4b:s0+s2] =	stream.linear.scatter [tilespmem:s4], [sflag:$0x2], $0x1C000, $0x38;
	[tilespmem:$0x1CE00] =	vst v63  }
0xba: {  	_ =	swait.ge [sflag:s3], $0x1C000  }
0xbb: {  	[sflag:s3] =	ssyncset.done $0x0  }
0xbc: {  	s10 =	rddreg [dreg:$0x2];
	[sflag:s3] =	ssyncadd.s32 $0xFFFE4000  }
0xbd: {  	[tilespmem:s2], [sflag:$0x2] =	stream.linear.gather [hbm4b:s10+s2], $0xE00, $0x38;
	[tilespmem:$0x1CE00] =	vst v63  }
0xbe: {  	_ =	swait.ge [sflag:s3], $0xE00  }
0xbf: {  	[sflag:s3] =	ssyncset.done $0x0;
	s11 =	rddreg [dreg:$0x4]  }
0xc0: {  	s8 =	rddreg [dreg:$0x6];
	[sflag:s3] =	ssyncadd.s32 $0xFFFFF200  }
0xc1: {  	[tilespmem:s4], [sflag:$0x1] =	stream.indirect.gather [hbm4b:s5+s6], $0x20, s2, s6, $0xb8;
	[tilespmem:$0x1CE00] =	vst v63  }
0xc2: {  	s9 =	rddreg [dreg:$0x5]  }
0xc3: {  	[tilespmem:s11], [sflag:$0x1] =	stream.indirect.gather [hbm4b:s5+s6], $0x20, s6, s6, $0xb8;
	[tilespmem:$0x1CE00] =	vst v63  }
0xc4: {  	s10 =	rddreg [dreg:$0x7]  }
0xc5: {  	[tilespmem:s8], [sflag:$0x1] =	stream.indirect.gather [hbm4b:s5+s6], $0x20, s9, s6, $0xb8;
	[tilespmem:$0x1CE00] =	vst v63  }
0xc6: {  	s12 =	rddreg [dreg:$0x8]  }
0xc7: {  	[tilespmem:s12], [sflag:$0x1] =	stream.indirect.gather [hbm4b:s5+s6], $0x20, s10, s6, $0xb8;
	[tilespmem:$0x1CE00] =	vst v63  }
0xc8: {  	_ =	swait.ge [sflag:s7], $0x1000  }
0xc9: {  	[sflag:s7] =	ssyncset.done $0x0  }
0xca: {  	[sflag:s7] =	ssyncadd.s32 $0xFFFFF000  }
0xcb: {  	_ =	swait.ge [sflag:s7], $0x1000  }
0xcc: {  	[sflag:s7] =	ssyncset.done $0x0  }
0xcd: {  	[sflag:s7] =	ssyncadd.s32 $0xFFFFF000  }
0xce: {  	_ =	swait.ge [sflag:s7], $0x1000  }
0xcf: {  	[sflag:s7] =	ssyncset.done $0x0  }
0xd0: {  	[sflag:s7] =	ssyncadd.s32 $0xFFFFF000  }
0xd1: {  	_ =	swait.ge [sflag:s7], $0x1000  }
0xd2: {  	s0 =	rddreg [dreg:$0xc]  }
0xd3: {  	s8 =	rddreg [dreg:$0x9]  }
0xd4: {  	s9 =	rddreg [dreg:$0xa]  }
0xd5: {  	[sflag:s7] =	ssyncset.done $0x0;
	s10 =	rddreg [dreg:$0xb]  }
0xd6: {  	s11 =	rddreg [dreg:$0x10];
	[sflag:s7] =	ssyncadd.s32 $0xFFFFF000  }
0xd7: {  	[tilespmem:s9], [sflag:$0x1] =	stream.indirect.gather [hbm4b:s5+s6], $0x20, s8, s6, $0xb8;
	[tilespmem:$0x1CE00] =	vst v63  }
0xd8: {  	s12 =	rddreg [dreg:$0xd]  }
0xd9: {  	[tilespmem:s0], [sflag:$0x1] =	stream.indirect.gather [hbm4b:s5+s6], $0x20, s10, s6, $0xb8;
	[tilespmem:$0x1CE00] =	vst v63  }
0xda: {  	s9 =	rddreg [dreg:$0xe]  }
0xdb: {  	[tilespmem:s9], [sflag:$0x1] =	stream.indirect.gather [hbm4b:s5+s6], $0x20, s12, s6, $0xb8;
	[tilespmem:$0x1CE00] =	vst v63  }
0xdc: {  	s10 =	rddreg [dreg:$0xf]  }
0xdd: {  	[tilespmem:s11], [sflag:$0x1] =	stream.indirect.gather [hbm4b:s5+s6], $0x20, s10, s6, $0xb8;
	[tilespmem:$0x1CE00] =	vst v63  }
0xde: {  	_ =	swait.ge [sflag:s7], $0x1000  }
0xdf: {  	[sflag:s7] =	ssyncset.done $0x0  }
0xe0: {  	[sflag:s7] =	ssyncadd.s32 $0xFFFFF000  }
0xe1: {  	_ =	swait.ge [sflag:s7], $0x1000  }
0xe2: {  	[sflag:s7] =	ssyncset.done $0x0  }
0xe3: {  	[sflag:s7] =	ssyncadd.s32 $0xFFFFF000  }
0xe4: {  	_ =	swait.ge [sflag:s7], $0x1000  }
0xe5: {  	[sflag:s7] =	ssyncset.done $0x0  }
0xe6: {  	[sflag:s7] =	ssyncadd.s32 $0xFFFFF000  }
0xe7: {  	_ =	swait.ge [sflag:s7], $0x1000  }
0xe8: {  	s0 =	rddreg [dreg:$0x14]  }
0xe9: {  	s8 =	rddreg [dreg:$0x12]  }
0xea: {  	s9 =	rddreg [dreg:$0x11]  }
0xeb: {  	[sflag:s7] =	ssyncset.done $0x0;
	s10 =	rddreg [dreg:$0x13]  }
0xec: {  	s11 =	rddreg [dreg:$0x18];
	[sflag:s7] =	ssyncadd.s32 $0xFFFFF000  }
0xed: {  	[tilespmem:s8], [sflag:$0x1] =	stream.indirect.gather [hbm4b:s5+s6], $0x20, s9, s6, $0xb8;
	[tilespmem:$0x1CE00] =	vst v63  }
0xee: {  	s12 =	rddreg [dreg:$0x15]  }
0xef: {  	[tilespmem:s0], [sflag:$0x1] =	stream.indirect.gather [hbm4b:s5+s6], $0x20, s10, s6, $0xb8;
	[tilespmem:$0x1CE00] =	vst v63  }
0xf0: {  	s8 =	rddreg [dreg:$0x16]  }
0xf1: {  	[tilespmem:s8], [sflag:$0x1] =	stream.indirect.gather [hbm4b:s5+s6], $0x20, s12, s6, $0xb8;
	[tilespmem:$0x1CE00] =	vst v63  }
0xf2: {  	s9 =	rddreg [dreg:$0x17]  }
0xf3: {  	[tilespmem:s11], [sflag:$0x1] =	stream.indirect.gather [hbm4b:s5+s6], $0x20, s9, s6, $0xb8;
	[tilespmem:$0x1CE00] =	vst v63  }
0xf4: {  	_ =	swait.ge [sflag:s7], $0x1000  }
0xf5: {  	[sflag:s7] =	ssyncset.done $0x0  }
0xf6: {  	[sflag:s7] =	ssyncadd.s32 $0xFFFFF000  }
0xf7: {  	_ =	swait.ge [sflag:s7], $0x1000  }
0xf8: {  	[sflag:s7] =	ssyncset.done $0x0  }
0xf9: {  	[sflag:s7] =	ssyncadd.s32 $0xFFFFF000  }
0xfa: {  	_ =	swait.ge [sflag:s7], $0x1000  }
0xfb: {  	[sflag:s7] =	ssyncset.done $0x0  }
0xfc: {  	[sflag:s7] =	ssyncadd.s32 $0xFFFFF000  }
0xfd: {  	_ =	swait.ge [sflag:s7], $0x1000  }
0xfe: {  	s0 =	sld [smem:$0x7FC]  }
0xff: {  	s8 =	rddreg [dreg:$0x1c]  }
0x100: {  	s9 =	rddreg [dreg:$0x19]  }
0x101: {  	[sflag:s7] =	ssyncset.done $0x0;
	s10 =	rddreg [dreg:$0x1a]  }
0x102: {  	s11 =	rddreg [dreg:$0x1e];
	[sflag:s7] =	ssyncadd.s32 $0xFFFFF000  }
0x103: {  	[tilespmem:s10], [sflag:$0x1] =	stream.indirect.gather [hbm4b:s5+s6], $0x20, s9, s6, $0xb8;
	[tilespmem:$0x1CE00] =	vst v63  }
0x104: {  	s12 =	rddreg [dreg:$0x1b]  }
0x105: {  	[tilespmem:s8], [sflag:$0x1] =	stream.indirect.gather [hbm4b:s5+s6], $0x20, s12, s6, $0xb8;
	[tilespmem:$0x1CE00] =	vst v63  }
0x106: {  	s9 =	rddreg [dreg:$0x1d]  }
0x107: {  	[tilespmem:s11], [sflag:$0x1] =	stream.indirect.gather [hbm4b:s5+s6], $0x20, s9, s6, $0xb8;
	[tilespmem:$0x1CE00] =	vst v63  }
0x108: {  	s10 =	rddreg [dreg:$0x1f]  }
0x109: {  	[tilespmem:s0], [sflag:$0x1] =	stream.indirect.gather [hbm4b:s5+s6], $0x20, s10, s6, $0xb8;
	[tilespmem:$0x1CE00] =	vst v63  }
0x10a: {  	_ =	swait.ge [sflag:s7], $0x1000  }
0x10b: {  	[sflag:s7] =	ssyncset.done $0x0  }
0x10c: {  	[sflag:s7] =	ssyncadd.s32 $0xFFFFF000  }
0x10d: {  	_ =	swait.ge [sflag:s7], $0x1000  }
0x10e: {  	[sflag:s7] =	ssyncset.done $0x0  }
0x10f: {  	[sflag:s7] =	ssyncadd.s32 $0xFFFFF000  }
0x110: {  	_ =	swait.ge [sflag:s7], $0x1000  }
0x111: {  	[sflag:s7] =	ssyncset.done $0x0  }
0x112: {  	[sflag:s7] =	ssyncadd.s32 $0xFFFFF000  }
0x113: {  	_ =	swait.ge [sflag:s7], $0x1000  }
0x114: {  	s11 =	sld [smem:$0x7FD]  }
0x115: {  	[sflag:s7] =	ssyncset.done $0x0  }
0x116: {  	s12 =	simm.s32 $0x10E00;
	[sflag:s7] =	ssyncadd.s32 $0xFFFFF000  }
0x117: {  	[tilespmem:s12], [sflag:$0x1] =	stream.indirect.gather [hbm4b:s5+s6], $0x20, s11, s6, $0xb8;
	[tilespmem:$0x1CE00] =	vst v63  }
0x118: {  	s9 =	simm.s32 $0x880;
	s10 =	simm.s32 $0x11E00  }
0x119: {  	[tilespmem:s10], [sflag:$0x1] =	stream.indirect.gather [hbm4b:s5+s6], $0x20, s9, s6, $0xb8;
	[tilespmem:$0x1CE00] =	vst v63  }
0x11a: {  	s11 =	simm.s32 $0x900;
	s12 =	simm.s32 $0x12E00  }
0x11b: {  	[tilespmem:s12], [sflag:$0x1] =	stream.indirect.gather [hbm4b:s5+s6], $0x20, s11, s6, $0xb8;
	[tilespmem:$0x1CE00] =	vst v63  }
0x11c: {  	_ = 	snop  }
0x11d: {  	[tilespmem:s14], [sflag:$0x1] =	stream.indirect.gather [hbm4b:s5+s6], $0x20, s13, s6, $0xb8;
	[tilespmem:$0x1CE00] =	vst v63  }
0x11e: {  	_ =	swait.ge [sflag:s7], $0x1000  }
0x11f: {  	[sflag:s7] =	ssyncset.done $0x0  }
0x120: {  	[sflag:s7] =	ssyncadd.s32 $0xFFFFF000  }
0x121: {  	_ =	swait.ge [sflag:s7], $0x1000  }
0x122: {  	[sflag:s7] =	ssyncset.done $0x0  }
0x123: {  	[sflag:s7] =	ssyncadd.s32 $0xFFFFF000  }
0x124: {  	_ =	swait.ge [sflag:s7], $0x1000  }
0x125: {  	[sflag:s7] =	ssyncset.done $0x0  }
0x126: {  	[sflag:s7] =	ssyncadd.s32 $0xFFFFF000  }
0x127: {  	_ =	swait.ge [sflag:s7], $0x1000  }
0x128: {  	[sflag:s7] =	ssyncset.done $0x0  }
0x129: {  	[sflag:s7] =	ssyncadd.s32 $0xFFFFF000  }
0x12a: {  	[tilespmem:s16], [sflag:$0x1] =	stream.indirect.gather [hbm4b:s5+s6], $0x20, s15, s6, $0xb8;
	[tilespmem:$0x1CE00] =	vst v63  }
0x12b: {  	_ = 	snop  }
0x12c: {  	[tilespmem:s18], [sflag:$0x1] =	stream.indirect.gather [hbm4b:s5+s6], $0x20, s17, s6, $0xb8;
	[tilespmem:$0x1CE00] =	vst v63  }
0x12d: {  	_ = 	snop  }
0x12e: {  	[tilespmem:s20], [sflag:$0x1] =	stream.indirect.gather [hbm4b:s5+s6], $0x20, s19, s6, $0xb8;
	[tilespmem:$0x1CE00] =	vst v63  }
0x12f: {  	_ = 	snop  }
0x130: {  	[tilespmem:s22], [sflag:$0x1] =	stream.indirect.gather [hbm4b:s5+s6], $0x20, s21, s6, $0xb8;
	[tilespmem:$0x1CE00] =	vst v63  }
0x131: {  	_ =	swait.ge [sflag:s7], $0x1000  }
0x132: {  	[sflag:s7] =	ssyncset.done $0x0  }
0x133: {  	[sflag:s7] =	ssyncadd.s32 $0xFFFFF000  }
0x134: {  	_ =	swait.ge [sflag:s7], $0x1000  }
0x135: {  	[sflag:s7] =	ssyncset.done $0x0  }
0x136: {  	[sflag:s7] =	ssyncadd.s32 $0xFFFFF000  }
0x137: {  	_ =	swait.ge [sflag:s7], $0x1000  }
0x138: {  	[sflag:s7] =	ssyncset.done $0x0  }
0x139: {  	[sflag:s7] =	ssyncadd.s32 $0xFFFFF000  }
0x13a: {  	_ =	swait.ge [sflag:s7], $0x1000  }
0x13b: {  	[sflag:s7] =	ssyncset.done $0x0  }
0x13c: {  	[sflag:s7] =	ssyncadd.s32 $0xFFFFF000  }
0x13d: {  	[tilespmem:s24], [sflag:$0x1] =	stream.indirect.gather [hbm4b:s5+s6], $0x20, s23, s6, $0xb8;
	[tilespmem:$0x1CE00] =	vst v63  }
0x13e: {  	_ = 	snop  }
0x13f: {  	[tilespmem:s26], [sflag:$0x1] =	stream.indirect.gather [hbm4b:s5+s6], $0x20, s25, s6, $0xb8;
	[tilespmem:$0x1CE00] =	vst v63  }
0x140: {  	_ = 	snop  }
0x141: {  	[tilespmem:s29], [sflag:$0x1] =	stream.indirect.gather [hbm4b:s5+s6], $0x20, s28, s6, $0xb8;
	[tilespmem:$0x1CE00] =	vst v63  }
0x142: {  	p0 =	sne.s32 s1, $0x1  }
0x143: {  	[tilespmem:s31], [sflag:$0x1] =	stream.indirect.gather [hbm4b:s5+s6], $0x20, s30, s6, $0xb8;
	[tilespmem:$0x1CE00] =	vst v63  }
.Ltmp1:
0x144: {  	_ =	swait.ge [sflag:s7], $0x1000;
	(pc) =	sbr.rel @p0 .LBB2_1-.Ltmp1, $4  }
0x145: {  	[sflag:s7] =	ssyncset.done $0x0  }
0x146: {  	[sflag:s7] =	ssyncadd.s32 $0xFFFFF000  }
0x147: {  	_ =	swait.ge [sflag:s7], $0x1000  }
0x148: {  	s1 =	sadd.s32 $0xFFFFFFFF, s1;
	[sflag:s7] =	ssyncset.done $0x0  }
.LBB2_2:
0x149: {  	[sflag:s7] =	ssyncadd.s32 $0xFFFFF000  }
0x14a: {  	_ =	swait.ge [sflag:s7], $0x1000  }
0x14b: {  	[sflag:s7] =	ssyncset.done $0x0  }
0x14c: {  	[sflag:s7] =	ssyncadd.s32 $0xFFFFF000  }
0x14d: {  	_ =	swait.ge [sflag:s7], $0x1000  }
0x14e: {  	[sflag:s7] =	ssyncset.done $0x0  }
0x14f: {  	s0 =	rddreg [dreg:$0x3];
	[sflag:s7] =	ssyncadd.s32 $0xFFFFF000  }
0x150: {  	[hbm4b:s0+s2] =	stream.linear.scatter [tilespmem:s4], [sflag:$0x2], $0x1C000, $0x38;
	[tilespmem:$0x1CE00] =	vst v63  }
0x151: {  	_ =	swait.ge [sflag:s3], $0x1C000  }
0x152: {  	[sflag:s3] =	ssyncset.done $0x0  }
0x153: {  	[sflag:s3] =	ssyncadd.s32 $0xFFFE4000  }
0x154: {  	_ =	sfence.sel $0x180000  }
0x155: {  	[bflag:$0x0] =	sbarrier.arrive $0xFFFF  }
0x156: {  	_ =	strace $0x90000047  }
0x157: {  	s31 =	stileid.u32;
	[bflag:$0x2] =	sbarrier.arrive $0xFFFF  }
0x158: {  	p0 =	sne.s32 s31, $0x0;
	s0 =	rddreg [dreg:$0x1]  }
0x159: {  	s0 =	sadd.s32 @!p0 $0x100000, s0  }
0x15a: {  	[sflag:s0] =	ssyncadd.tile.s32 @!p0 $0x1;
	_ =	shalt  }
.Lfunc_end2:
_tile_overlayer_lowered:
.L_overlay_start_2:
0x15b: {  	(tag) =	ssettag $0x2  }
0x15c: {  	s0 =	rddreg [dreg:$0x0];
	s2 =	stileid.u32  }
0x15d: {  	s1 =	rddreg [dreg:$0x1];
	p0 =	sne.s32 s2, $0x0  }
0x15e: {  	s3 =	rddreg [dreg:$0x2];
	[bflag:$0x3] =	sbarrier.arrive $0xFFFF;
	s2 =	simm.s32 @!p0 $0x1C02  }
0x15f: {  	[timem:s3], [sflag:s2] =	dma.local @!p0 [hbm:s0], s1  }
0x160: {  	s0 =	simm.s32 @!p0 $0x2  }
0x161: {  	_ =	swait.ge @!p0 [sflag:s0], s1  }
0x162: {  	s1 =	ssub.s32 @!p0 $0x0, s1;
	[sflag:s0] =	ssyncset.done @!p0 $0x0  }
0x163: {  	[sflag:s0] =	ssyncadd.s32 @!p0 s1  }
0x164: {  	[bflag:$0x3] =	sbarrier.arrive $0xFFFF  }
0x165: {  	_ =	shalt  }

</sc_bundles>
